<compile_context>
chip_gen: v7x
topology: tpu7x:2x2x1
jax: 0.10.2.dev20260603
libtpu: 0.0.44.dev20260713+nightly
codegen_flags: <defaults>
</compile_context>

<pallas_src>
import functools

import numpy as np
import jax
import jax.numpy as jnp
from jax import lax
from jax.experimental import pallas as pl
from jax.experimental.pallas import tpu as pltpu
from jax.experimental.pallas import tpu_sc as plsc

NC, NS = 2, 16
NW = NC * NS

CP16 = 16

PH = lax.Precision.HIGHEST
PD = lax.Precision.DEFAULT


def _shuffle_mats(C):
    SA = np.zeros((CP16, C * C * 3), np.float32)
    SB = np.zeros((CP16, C * C * 3), np.float32)
    SM = np.zeros((C * C * 3, C * C), np.float32)
    for c in range(C):
        for f in range(C):
            for d in range(3):
                k = 12 * c + 3 * f + d
                SA[3 * c + d, k] = 1.0
                SB[3 * f + d, k] = 1.0
                SM[k, 4 * c + f] = 1.0
    return jnp.asarray(SA), jnp.asarray(SB), jnp.asarray(SM)



def _tc_uv(h, W12b, be1):
    N, Dh = h.shape
    B = 2000
    G = N // B

    def body(h_ref, w_ref, b_ref, u_ref, v_ref):
        hb = h_ref[...].astype(jnp.bfloat16)
        u_ref[...] = (jnp.dot(hb, w_ref[:Dh, :],
                              preferred_element_type=jnp.float32)
                      + b_ref[...])
        v_ref[...] = jnp.dot(hb, w_ref[Dh:, :],
                             preferred_element_type=jnp.float32)

    return pl.pallas_call(
        body,
        grid=(G,),
        in_specs=[
            pl.BlockSpec((B, Dh), lambda i: (i, 0)),
            pl.BlockSpec(W12b.shape, lambda i: (0, 0)),
            pl.BlockSpec(be1.shape, lambda i: (0, 0)),
        ],
        out_specs=[
            pl.BlockSpec((B, Dh), lambda i: (i, 0)),
            pl.BlockSpec((B, Dh), lambda i: (i, 0)),
        ],
        out_shape=[
            jax.ShapeDtypeStruct((N, Dh), jnp.float32),
            jax.ShapeDtypeStruct((N, Dh), jnp.float32),
        ],
    )(h, W12b, be1)



def _sc_gather2(U, V, coordp, row, col):
    E = row.shape[0]
    Dh = U.shape[1]
    N = U.shape[0]
    G = 128
    n_groups = E // G
    gpt = n_groups // NW
    rem = n_groups % NW
    mesh = plsc.VectorSubcoreMesh(core_axis_name="c", subcore_axis_name="s")

    @functools.partial(
        pl.kernel,
        out_type=[
            jax.ShapeDtypeStruct((E, Dh), jnp.float32),
            jax.ShapeDtypeStruct((E, Dh), jnp.float32),
            jax.ShapeDtypeStruct((E, CP16), jnp.float32),
            jax.ShapeDtypeStruct((E, CP16), jnp.float32),
        ],
        mesh=mesh,
        scratch_types=[
            pltpu.VMEM((2, G), jnp.int32),
            pltpu.VMEM((G, Dh), jnp.float32),
            pltpu.VMEM((G, Dh), jnp.float32),
            pltpu.VMEM((G, CP16), jnp.float32),
            pltpu.VMEM((G, CP16), jnp.float32),
            pltpu.SemaphoreType.DMA,
            pltpu.SemaphoreType.DMA,
            pltpu.SemaphoreType.DMA,
            pltpu.SemaphoreType.DMA,
        ],
        compiler_params=pltpu.CompilerParams(use_tc_tiling_on_sc=False),
    )
    def k(u_hbm, v_hbm, cp_hbm, row_hbm, col_hbm,
          hr_hbm, hc_hbm, cr_hbm, cc_hbm,
          idxb, hrb, hcb, crb, ccb, s1, s2, s3, s4):
        cid = lax.axis_index("c")
        sid = lax.axis_index("s")
        wid = sid * NC + cid
        ng = gpt + jnp.where(wid < rem, 1, 0)
        g0 = wid * gpt + jnp.minimum(wid, rem)

        @pl.loop(0, ng)
        def _(j):
            base = (g0 + j) * G
            pltpu.sync_copy(row_hbm.at[pl.ds(base, G)], idxb.at[0])
            pltpu.sync_copy(col_hbm.at[pl.ds(base, G)], idxb.at[1])
            c1 = pltpu.async_copy(u_hbm.at[idxb.at[0]], hrb, s1)
            c2 = pltpu.async_copy(v_hbm.at[idxb.at[1]], hcb, s2)
            c3 = pltpu.async_copy(cp_hbm.at[idxb.at[0]], crb, s3)
            c4 = pltpu.async_copy(cp_hbm.at[idxb.at[1]], ccb, s4)
            c1.wait()
            c2.wait()
            c3.wait()
            c4.wait()
            pltpu.sync_copy(hrb, hr_hbm.at[pl.ds(base, G)])
            pltpu.sync_copy(hcb, hc_hbm.at[pl.ds(base, G)])
            pltpu.sync_copy(crb, cr_hbm.at[pl.ds(base, G)])
            pltpu.sync_copy(ccb, cc_hbm.at[pl.ds(base, G)])

    return k(U, V, coordp, row, col)



def _sc_scatter(row, ef, tr, zn, zc, N):
    E = row.shape[0]
    Dh = ef.shape[1]
    G = 128
    n_groups = E // NC // G
    gpt = n_groups // NS
    rem = n_groups % NS
    zrows = 80
    nz = N // zrows
    nzl = -(-nz // NS)
    mesh = plsc.VectorSubcoreMesh(core_axis_name="c", subcore_axis_name="s")

    @functools.partial(
        pl.kernel,
        out_type=[
            jax.ShapeDtypeStruct((N, Dh), jnp.float32),
            jax.ShapeDtypeStruct((N, Dh), jnp.float32),
            jax.ShapeDtypeStruct((N, CP16), jnp.float32),
            jax.ShapeDtypeStruct((N, CP16), jnp.float32),
        ],
        mesh=mesh,
        scratch_types=[
            pltpu.VMEM((1, G), jnp.int32),
            pltpu.VMEM((G, Dh), jnp.float32),
            pltpu.VMEM((G, CP16), jnp.float32),
            pltpu.VMEM((zrows, Dh), jnp.float32),
            pltpu.VMEM((zrows, CP16), jnp.float32),
            pltpu.VMEM_SHARED((N, Dh), jnp.float32),
            pltpu.VMEM_SHARED((N, CP16), jnp.float32),
        ],
        compiler_params=pltpu.CompilerParams(use_tc_tiling_on_sc=False),
    )
    def k(row_hbm, ef_hbm, tr_hbm, zn_hbm, zc_hbm,
          n0_hbm, n1_hbm, c0_hbm, c1_hbm,
          idxb, efb, trb, bncn, bncc, accn, accc):
        cid = lax.axis_index("c")
        sid = lax.axis_index("s")

        pltpu.sync_copy(zn_hbm, bncn)
        pltpu.sync_copy(zc_hbm, bncc)

        @pl.loop(0, nzl)
        def _(kk):
            ch = sid + NS * kk

            @pl.when(ch < nz)
            def _():
                pltpu.sync_copy(bncn, accn.at[pl.ds(ch * zrows, zrows)])
                pltpu.sync_copy(bncc, accc.at[pl.ds(ch * zrows, zrows)])
        plsc.subcore_barrier()

        ng = gpt + jnp.where(sid < rem, 1, 0)
        g0 = sid * gpt + jnp.minimum(sid, rem)

        @pl.loop(0, ng)
        def _(j):
            base = cid * (E // NC) + (g0 + j) * G
            pltpu.sync_copy(row_hbm.at[pl.ds(base, G)], idxb.at[0])
            pltpu.sync_copy(ef_hbm.at[pl.ds(base, G)], efb)
            pltpu.sync_copy(tr_hbm.at[pl.ds(base, G)], trb)
            pltpu.sync_copy(efb, accn.at[idxb.at[0]], add=True)
            pltpu.sync_copy(trb, accc.at[idxb.at[0]], add=True)

        plsc.subcore_barrier()

        def dump(dstn_hbm, dstc_hbm):
            @pl.loop(0, nzl)
            def _(kk):
                ch = sid + NS * kk

                @pl.when(ch < nz)
                def _():
                    pltpu.sync_copy(accn.at[pl.ds(ch * zrows, zrows)], bncn)
                    pltpu.sync_copy(bncn,
                                    dstn_hbm.at[pl.ds(ch * zrows, zrows)])
                    pltpu.sync_copy(accc.at[pl.ds(ch * zrows, zrows)], bncc)
                    pltpu.sync_copy(bncc,
                                    dstc_hbm.at[pl.ds(ch * zrows, zrows)])

        @pl.when(cid == 0)
        def _():
            dump(n0_hbm, c0_hbm)

        @pl.when(cid == 1)
        def _():
            dump(n1_hbm, c1_hbm)

    return k(row, ef, tr, zn, zc)


def _geom(cr, cc, sab_ref, sdd_ref, smx_ref):
    cd = cr - cc
    cdb = cd.astype(jnp.bfloat16)
    ab = jnp.dot(cdb, sab_ref[...], preferred_element_type=jnp.float32)
    prod = ab[:, :48] * ab[:, 48:]
    ccat = jnp.concatenate([cr, cc], axis=1).astype(jnp.bfloat16)
    dd = jnp.dot(ccat, sdd_ref[...], preferred_element_type=jnp.float32)
    ddsq = dd * dd
    both = jnp.concatenate([prod, ddsq], axis=1).astype(jnp.bfloat16)
    radu = jnp.dot(both, smx_ref[...], preferred_element_type=jnp.float32)
    radial = radu[:, :16]
    dist2 = jnp.maximum(radu[:, 16:], 1e-24)
    return cd, radial, dist2



def _tc_pass1(crp, ccp, SAB, SDD, SMX):
    E = crp.shape[0]
    B = 2000
    G = E // B

    def body(crp_ref, ccp_ref, sab_ref, sdd_ref, smx_ref, sums_ref, acc):
        i = pl.program_id(0)
        _, radial, dist2 = _geom(crp_ref[...], ccp_ref[...],
                                 sab_ref, sdd_ref, smx_ref)

        @pl.when(i == 0)
        def _():
            acc[...] = jnp.zeros_like(acc)

        acc[0:1, 0:16] += jnp.sum(radial * radial, axis=0, keepdims=True)
        acc[1:2, 0:16] += jnp.sum(dist2, axis=0, keepdims=True)

        @pl.when(i == G - 1)
        def _():
            sums_ref[...] = acc[...]

    return pl.pallas_call(
        body,
        grid=(G,),
        in_specs=[
            pl.BlockSpec((B, CP16), lambda i: (i, 0)),
            pl.BlockSpec((B, CP16), lambda i: (i, 0)),
            pl.BlockSpec(SAB.shape, lambda i: (0, 0)),
            pl.BlockSpec(SDD.shape, lambda i: (0, 0)),
            pl.BlockSpec(SMX.shape, lambda i: (0, 0)),
        ],
        out_specs=pl.BlockSpec((8, 128), lambda i: (0, 0)),
        out_shape=jax.ShapeDtypeStruct((8, 128), jnp.float32),
        scratch_shapes=[pltpu.VMEM((8, 128), jnp.float32)],
    )(crp, ccp, SAB, SDD, SMX)



def _tc_main(hr, hc, crp, ccp, ea, sums,
             SAB, SDD, SMX, W34, We2T, be2, Wc1T, bc1, Wc2x):
    E = hr.shape[0]
    Dh = hr.shape[1]
    B = 2000
    G = E // B
    silu = jax.nn.silu
    bf = jnp.bfloat16
    f32 = jnp.float32

    def body(hr_ref, hc_ref, crp_ref, ccp_ref, ea_ref, sums_ref,
             sab_ref, sdd_ref, smx_ref,
             w34_ref, we2_ref, be2_ref,
             wc1_ref, bc1_ref, wc2x_ref,
             ef_ref, tr_ref):
        cd, radial, dist2 = _geom(crp_ref[...], ccp_ref[...],
                                  sab_ref, sdd_ref, smx_ref)
        sr = 1.0 / jnp.maximum(jnp.sqrt(sums_ref[0:1, 0:16]), 1e-12)
        sd = 1.0 / jnp.maximum(jnp.sqrt(sums_ref[1:2, 0:16]), 1e-12)
        radea = jnp.concatenate(
            [radial * sr, jnp.sqrt(dist2) * sd, ea_ref[...]], axis=1
        ).astype(bf)
        x = (hr_ref[...] + hc_ref[...]
             + jnp.dot(radea, w34_ref[...], preferred_element_type=f32))
        m = silu(x)
        ef = silu(jnp.dot(m.astype(bf), we2_ref[...],
                          preferred_element_type=f32) + be2_ref[...])
        ef_ref[...] = ef
        c1 = silu(jnp.dot(ef.astype(bf), wc1_ref[...],
                          preferred_element_type=f32) + bc1_ref[...])
        cmx = jnp.dot(c1.astype(bf), wc2x_ref[...],
                      preferred_element_type=f32)
        lane = lax.broadcasted_iota(jnp.int32, (1, CP16), 1)
        e12 = jnp.where(lane == 12, 1.0, 0.0)
        tr_ref[...] = cd * cmx + e12

    full = lambda s: pl.BlockSpec(s, lambda i: (0, 0))
    return pl.pallas_call(
        body,
        grid=(G,),
        in_specs=[
            pl.BlockSpec((B, Dh), lambda i: (i, 0)),
            pl.BlockSpec((B, Dh), lambda i: (i, 0)),
            pl.BlockSpec((B, CP16), lambda i: (i, 0)),
            pl.BlockSpec((B, CP16), lambda i: (i, 0)),
            pl.BlockSpec((B, 16), lambda i: (i, 0)),
            full((8, 128)),
            full(SAB.shape), full(SDD.shape), full(SMX.shape),
            full(W34.shape),
            full(We2T.shape), full(be2.shape), full(Wc1T.shape),
            full(bc1.shape), full(Wc2x.shape),
        ],
        out_specs=[
            pl.BlockSpec((B, Dh), lambda i: (i, 0)),
            pl.BlockSpec((B, CP16), lambda i: (i, 0)),
        ],
        out_shape=[
            jax.ShapeDtypeStruct((E, Dh), jnp.float32),
            jax.ShapeDtypeStruct((E, CP16), jnp.float32),
        ],
    )(hr, hc, crp, ccp, ea, sums,
      SAB, SDD, SMX, W34, We2T, be2, Wc1T, bc1, Wc2x)



def _tc_node(h, n0, n1, c0, c1, coordp,
             Wn1hT, Wn1aT, bn1, Wn2T, bn2):
    N, Dh = h.shape
    B = 2000
    G = N // B
    silu = jax.nn.silu

    def body(h_ref, n0_ref, n1_ref, c0_ref, c1_ref, cp_ref,
             w1h_ref, w1a_ref, bn1_ref, w2_ref, bn2_ref,
             hout_ref, cout_ref):
        hv = h_ref[...]
        nagg = n0_ref[...] + n1_ref[...]
        x = silu(jnp.dot(hv, w1h_ref[...], precision=PD)
                 + jnp.dot(nagg, w1a_ref[...], precision=PD)
                 + bn1_ref[...])
        nh = jnp.dot(x, w2_ref[...], precision=PD) + bn2_ref[...]
        hout_ref[...] = hv + nh
        cagg = c0_ref[...] + c1_ref[...]
        cnt = jnp.maximum(cagg[:, 12:13], 1.0)
        cout_ref[...] = cp_ref[...] + cagg / cnt

    full = lambda s: pl.BlockSpec(s, lambda i: (0, 0))
    return pl.pallas_call(
        body,
        grid=(G,),
        in_specs=[
            pl.BlockSpec((B, Dh), lambda i: (i, 0)),
            pl.BlockSpec((B, Dh), lambda i: (i, 0)),
            pl.BlockSpec((B, Dh), lambda i: (i, 0)),
            pl.BlockSpec((B, CP16), lambda i: (i, 0)),
            pl.BlockSpec((B, CP16), lambda i: (i, 0)),
            pl.BlockSpec((B, CP16), lambda i: (i, 0)),
            full(Wn1hT.shape), full(Wn1aT.shape), full(bn1.shape),
            full(Wn2T.shape), full(bn2.shape),
        ],
        out_specs=[
            pl.BlockSpec((B, Dh), lambda i: (i, 0)),
            pl.BlockSpec((B, CP16), lambda i: (i, 0)),
        ],
        out_shape=[
            jax.ShapeDtypeStruct((N, Dh), jnp.float32),
            jax.ShapeDtypeStruct((N, CP16), jnp.float32),
        ],
    )(h, n0, n1, c0, c1, coordp,
      Wn1hT, Wn1aT, bn1, Wn2T, bn2)



def kernel(h, edge_index, coord, edge_attr,
           We1, be1, We2, be2, Wn1, bn1, Wn2, bn2, Wc1, bc1, Wc2):
    N, Dh = h.shape
    C = coord.shape[1]
    E = edge_index.shape[1]
    Hh = We1.shape[0]

    row = edge_index[0].astype(jnp.int32)
    col = edge_index[1].astype(jnp.int32)
    coord12 = coord.reshape(N, C * 3)
    coordp = jnp.pad(coord12, ((0, 0), (0, CP16 - C * 3)))

    W1T = We1[:, :Dh].T
    W2T = We1[:, Dh:2 * Dh].T
    W3 = We1[:, 2 * Dh:2 * Dh + 2 * C * C]
    idx_r = np.array([8 * c + f for c in range(C) for f in range(C)])
    idx_d = np.array([8 * c + 4 + f for c in range(C) for f in range(C)])
    W3Tr = W3[:, idx_r].T
    W3Td = W3[:, idx_d].T
    W4T = We1[:, 2 * Dh + 2 * C * C:].T
    EXP3 = np.zeros((C, CP16), np.float32)
    for c in range(C):
        for d in range(3):
            EXP3[c, 3 * c + d] = 1.0
    Wc2x = Wc2.T @ jnp.asarray(EXP3)
    SA16, SB16, SM3 = _shuffle_mats(C)
    bf = jnp.bfloat16
    SAB = jnp.concatenate([SA16, SB16], axis=1).astype(bf)
    SDD = jnp.concatenate([SA16, -SB16], axis=0).astype(bf)
    SMX = jnp.zeros((96, 32), jnp.float32)
    SMX = SMX.at[:48, :16].set(SM3).at[48:, 16:].set(SM3).astype(bf)
    W12 = jnp.concatenate([W1T, W2T], axis=0).astype(bf)
    W34 = jnp.concatenate([W3Tr, W3Td, W4T], axis=0).astype(bf)

    be1r = be1.reshape(1, Hh)
    be2r = be2.reshape(1, Hh)
    bc1r = bc1.reshape(1, Hh)
    bn1r = bn1.reshape(1, Hh)
    bn2r = bn2.reshape(1, Dh)

    U, V = _tc_uv(h, W12, be1r)

    hr, hc, crp, ccp = _sc_gather2(U, V, coordp, row, col)

    sums = _tc_pass1(crp, ccp, SAB, SDD, SMX)

    ef, tr16 = _tc_main(hr, hc, crp, ccp, edge_attr, sums,
                                        SAB, SDD, SMX, W34,
                                        We2.T.astype(bf), be2r,
                                        Wc1.T.astype(bf), bc1r,
                                        Wc2x.astype(bf))

    zn = jnp.zeros((80, Dh), jnp.float32)
    zc = jnp.zeros((80, CP16), jnp.float32)
    n0, n1, c0, c1 = _sc_scatter(row, ef, tr16, zn, zc, N)

    hout, co16 = _tc_node(h, n0, n1, c0, c1, coordp,
                          Wn1[:, :Dh].T, Wn1[:, Dh:].T, bn1r, Wn2.T, bn2r)

    coord_out = co16[:, :C * 3].reshape(N, C, 3)
    return (hout, coord_out)

# --- scband reference (transcript-rebuilt; emitter-appended) ---
"""Pipeline reference for scband-mc-e-gcl-33621003993975 (READ-ONLY COPY).

The authoritative reference and input builder live on the scoring server;
editing this copy changes nothing except your own understanding.
"""

import jax, jax.numpy as jnp
import numpy as np

N, E, D, C, ED, H = 10000, 320000, 128, 4, 16, 128


def _lin(k, o, i, scale=1.0):
    return jax.random.normal(k, (o, i), dtype=jnp.float32) * (scale / np.sqrt(i))


def setup_inputs(seed: int = 0):
    key = jax.random.key(seed)
    ks = jax.random.split(key, 12)
    h = jax.random.normal(ks[0], (N, D), dtype=jnp.float32)
    edge_index = jax.random.randint(ks[1], (2, E), 0, N)
    coord = jax.random.normal(ks[2], (N, C, 3), dtype=jnp.float32)
    edge_attr = jax.random.normal(ks[3], (E, ED), dtype=jnp.float32)
    We1 = _lin(ks[4], H, 2 * D + 2 * C * C + ED)
    be1 = jnp.zeros((H,), jnp.float32)
    We2 = _lin(ks[5], H, H)
    be2 = jnp.zeros((H,), jnp.float32)
    Wn1 = _lin(ks[6], H, H + D)
    bn1 = jnp.zeros((H,), jnp.float32)
    Wn2 = _lin(ks[7], D, H)
    bn2 = jnp.zeros((D,), jnp.float32)
    Wc1 = _lin(ks[8], H, H)
    bc1 = jnp.zeros((H,), jnp.float32)
    Wc2 = _lin(ks[9], C, H, scale=0.001)
    return {"h": h, "edge_index": edge_index, "coord": coord, "edge_attr": edge_attr,
            "We1": We1, "be1": be1, "We2": We2, "be2": be2,
            "Wn1": Wn1, "bn1": bn1, "Wn2": Wn2, "bn2": bn2,
            "Wc1": Wc1, "bc1": bc1, "Wc2": Wc2}


def _forward(row, col, h, coord, edge_attr, We1, be1, We2, be2, Wn1, bn1, Wn2, bn2, Wc1, bc1, Wc2):
    silu = jax.nn.silu
    cr = coord[row]
    cc = coord[col]
    coord_diff = cr - cc
    # radial = bmm(coord_diff, coord_diff^T): [E, C, C]
    radial = jnp.einsum('ecd,efd->ecf', coord_diff, coord_diff)
    # dist = cdist(coord[row], coord[col]): [E, C, C]
    dd = cr[:, :, None, :] - cc[:, None, :, :]
    dist = jnp.sqrt(jnp.maximum(jnp.sum(dd * dd, axis=-1), 1e-24))
    def norm0(x):
        n = jnp.sqrt(jnp.sum(x * x, axis=0, keepdims=True))
        return x / jnp.maximum(n, 1e-12)
    radial = norm0(radial)
    dist = norm0(dist)
    rad = jnp.concatenate([radial, dist], axis=-1).reshape(row.shape[0], -1)
    # edge model (dropout = identity in eval / p=0)
    out = jnp.concatenate([h[row], h[col], rad, edge_attr], axis=1)
    m = silu(jnp.dot(out, We1.T) + be1)
    edge_feat = silu(jnp.dot(m, We2.T) + be2)
    # coord model (coords_agg='mean')
    cm = silu(jnp.dot(edge_feat, Wc1.T) + bc1)
    cm = jnp.dot(cm, Wc2.T)  # [E, C]
    trans = coord_diff * cm[:, :, None]
    n_nodes = coord.shape[0]
    agg_sum = jax.ops.segment_sum(trans, row, num_segments=n_nodes)
    cnt = jax.ops.segment_sum(jnp.ones_like(trans), row, num_segments=n_nodes)
    coord_out = coord + agg_sum / jnp.maximum(cnt, 1.0)
    # node model (residual=True)
    nagg = jax.ops.segment_sum(edge_feat, row, num_segments=n_nodes)
    nh = silu(jnp.dot(jnp.concatenate([h, nagg], axis=1), Wn1.T) + bn1)
    nh = jnp.dot(nh, Wn2.T) + bn2
    h_out = h + nh
    return (h_out, coord_out)


def reference(h, edge_index, coord, edge_attr, We1, be1, We2, be2, Wn1, bn1, Wn2, bn2, Wc1, bc1, Wc2):
    row = edge_index[0]
    col = edge_index[1]
    return _forward(row, col, h, coord, edge_attr, We1, be1, We2, be2, Wn1, bn1, Wn2, bn2, Wc1, bc1, Wc2)

if __name__ == "__main__":
    import jax
    _d = setup_inputs()
    print(jax.jit(kernel)(*tuple(_d.values())))

</pallas_src>

<mosaic_0001>
#map = affine_map<(d0, d1) -> (0)>
#map1 = affine_map<(d0, d1) -> (0, 0)>
module attributes {stable_mosaic.version = 14 : i64} {
  func.func @k(%arg0: i32, %arg1: i32, %arg2: memref<320000xi32, #tpu.memory_space<hbm>>, %arg3: memref<320000x128xf32, #tpu.memory_space<hbm>>, %arg4: memref<320000x16xf32, #tpu.memory_space<hbm>>, %arg5: memref<80x128xf32, #tpu.memory_space<hbm>>, %arg6: memref<80x16xf32, #tpu.memory_space<hbm>>, %arg7: memref<10000x128xf32, #tpu.memory_space<hbm>>, %arg8: memref<10000x128xf32, #tpu.memory_space<hbm>>, %arg9: memref<10000x16xf32, #tpu.memory_space<hbm>>, %arg10: memref<10000x16xf32, #tpu.memory_space<hbm>>, %arg11: memref<1x128xi32, #tpu.memory_space<vmem>>, %arg12: memref<128x128xf32, #tpu.memory_space<vmem>>, %arg13: memref<128x16xf32, #tpu.memory_space<vmem>>, %arg14: memref<80x128xf32, #tpu.memory_space<vmem>>, %arg15: memref<80x16xf32, #tpu.memory_space<vmem>>, %arg16: memref<10000x128xf32, #tpu.memory_space<vmem_shared>>, %arg17: memref<10000x16xf32, #tpu.memory_space<vmem_shared>>) attributes {dimension_semantics = [#tpu.dimension_semantics<core_parallel>, #tpu.dimension_semantics<subcore_parallel>], iteration_bounds = array<i64: 2, 16>, scalar_prefetch = 0 : i64, scratch_operands = 7 : i64, tpu.core_type = #tpu.core_type<sc_vector_subcore>, window_params = [{transform_indices = #map}, {transform_indices = #map1}, {transform_indices = #map1}, {transform_indices = #map1}, {transform_indices = #map1}, {transform_indices = #map1}, {transform_indices = #map1}, {transform_indices = #map1}, {transform_indices = #map1}]} {
    "tpu.region"() ({
      %run_scoped3A = tpu.sem_alloc : memref<!tpu.dma_semaphore, #tpu.memory_space<semaphore_mem>>
      tpu.enqueue_dma source(%arg5 : memref<80x128xf32, #tpu.memory_space<hbm>>) target(%arg14 : memref<80x128xf32, #tpu.memory_space<vmem>>) target_semaphore(%run_scoped3A : memref<!tpu.dma_semaphore, #tpu.memory_space<semaphore_mem>>)
      tpu.wait_dma2 semaphore(%run_scoped3A : memref<!tpu.dma_semaphore, #tpu.memory_space<semaphore_mem>>) src(%arg5 : memref<80x128xf32, #tpu.memory_space<hbm>>) dst(%arg14 : memref<80x128xf32, #tpu.memory_space<vmem>>)
      tpu.yield
    }) : () -> ()
    "tpu.region"() ({
      %run_scoped3A = tpu.sem_alloc : memref<!tpu.dma_semaphore, #tpu.memory_space<semaphore_mem>>
      tpu.enqueue_dma source(%arg6 : memref<80x16xf32, #tpu.memory_space<hbm>>) target(%arg15 : memref<80x16xf32, #tpu.memory_space<vmem>>) target_semaphore(%run_scoped3A : memref<!tpu.dma_semaphore, #tpu.memory_space<semaphore_mem>>)
      tpu.wait_dma2 semaphore(%run_scoped3A : memref<!tpu.dma_semaphore, #tpu.memory_space<semaphore_mem>>) src(%arg6 : memref<80x16xf32, #tpu.memory_space<hbm>>) dst(%arg15 : memref<80x16xf32, #tpu.memory_space<vmem>>)
      tpu.yield
    }) : () -> ()
    %scan3A = arith.constant 0 : i32
    %scan3A_0 = arith.constant 8 : i32
    %scan3A_1 = arith.addi %scan3A, %scan3A_0 : i32
    %scan3A_2 = arith.constant 1 : i32
    scf.for %scan3A_34 = %scan3A to %scan3A_1 step %scan3A_2  : i32 {
      %mul3A_35 = arith.constant 1 : i32
      %mul3A_36 = arith.muli %scan3A_34, %mul3A_35 : i32
      %add3A_37 = arith.constant 0 : i32
      %add3A_38 = arith.addi %add3A_37, %mul3A_36 : i32
      %mul3A_39 = arith.constant 16 : i32
      %mul3A_40 = arith.muli %mul3A_39, %add3A_38 : i32
      %add3A_41 = arith.addi %arg1, %mul3A_40 : i32
      %lt3A_42 = arith.constant 125 : i32
      %lt3A_43 = arith.cmpi slt, %add3A_41, %lt3A_42 : i32
      %convert_element_type3A_44 = arith.extui %lt3A_43 : i1 to i32
      %cond3A_45 = arith.constant 0 : i32
      %cond3A_46 = arith.cmpi ne, %convert_element_type3A_44, %cond3A_45 : i32
      scf.if %cond3A_46 {
        %mul3A_47 = arith.constant 80 : i32
        %mul3A_48 = arith.muli %add3A_41, %mul3A_47 : i32
        "tpu.region"() ({
          %run_scoped3A = tpu.sem_alloc : memref<!tpu.dma_semaphore, #tpu.memory_space<semaphore_mem>>
          %dma_start3A = arith.constant 0 : i32
          %dma_start3A_51 = tpu.memref_slice %arg16[%mul3A_48, %dma_start3A] : memref<10000x128xf32, #tpu.memory_space<vmem_shared>> -> memref<80x128xf32, #tpu.memory_space<vmem_shared>>
          %dma_start3A_52 = arith.constant 0 : i32
          %dma_start3A_53 = tpu.memref_slice %arg16[%mul3A_48, %dma_start3A_52] : memref<10000x128xf32, #tpu.memory_space<vmem_shared>> -> memref<80x128xf32, #tpu.memory_space<vmem_shared>>
          tpu.enqueue_dma source(%arg14 : memref<80x128xf32, #tpu.memory_space<vmem>>) target(%dma_start3A_53 : memref<80x128xf32, #tpu.memory_space<vmem_shared>>) target_semaphore(%run_scoped3A : memref<!tpu.dma_semaphore, #tpu.memory_space<semaphore_mem>>)
          %dma_wait3A = arith.constant 0 : i32
          %dma_wait3A_54 = tpu.memref_slice %arg16[%mul3A_48, %dma_wait3A] : memref<10000x128xf32, #tpu.memory_space<vmem_shared>> -> memref<80x128xf32, #tpu.memory_space<vmem_shared>>
          %dma_wait3A_55 = arith.constant 0 : i32
          %dma_wait3A_56 = tpu.memref_slice %arg16[%mul3A_48, %dma_wait3A_55] : memref<10000x128xf32, #tpu.memory_space<vmem_shared>> -> memref<80x128xf32, #tpu.memory_space<vmem_shared>>
          tpu.wait_dma2 semaphore(%run_scoped3A : memref<!tpu.dma_semaphore, #tpu.memory_space<semaphore_mem>>) src(%arg14 : memref<80x128xf32, #tpu.memory_space<vmem>>) dst(%dma_wait3A_56 : memref<80x128xf32, #tpu.memory_space<vmem_shared>>)
          tpu.yield
        }) : () -> ()
        %mul3A_49 = arith.constant 80 : i32
        %mul3A_50 = arith.muli %add3A_41, %mul3A_49 : i32
        "tpu.region"() ({
          %run_scoped3A = tpu.sem_alloc : memref<!tpu.dma_semaphore, #tpu.memory_space<semaphore_mem>>
          %dma_start3A = arith.constant 0 : i32
          %dma_start3A_51 = tpu.memref_slice %arg17[%mul3A_50, %dma_start3A] : memref<10000x16xf32, #tpu.memory_space<vmem_shared>> -> memref<80x16xf32, #tpu.memory_space<vmem_shared>>
          %dma_start3A_52 = arith.constant 0 : i32
          %dma_start3A_53 = tpu.memref_slice %arg17[%mul3A_50, %dma_start3A_52] : memref<10000x16xf32, #tpu.memory_space<vmem_shared>> -> memref<80x16xf32, #tpu.memory_space<vmem_shared>>
          tpu.enqueue_dma source(%arg15 : memref<80x16xf32, #tpu.memory_space<vmem>>) target(%dma_start3A_53 : memref<80x16xf32, #tpu.memory_space<vmem_shared>>) target_semaphore(%run_scoped3A : memref<!tpu.dma_semaphore, #tpu.memory_space<semaphore_mem>>)
          %dma_wait3A = arith.constant 0 : i32
          %dma_wait3A_54 = tpu.memref_slice %arg17[%mul3A_50, %dma_wait3A] : memref<10000x16xf32, #tpu.memory_space<vmem_shared>> -> memref<80x16xf32, #tpu.memory_space<vmem_shared>>
          %dma_wait3A_55 = arith.constant 0 : i32
          %dma_wait3A_56 = tpu.memref_slice %arg17[%mul3A_50, %dma_wait3A_55] : memref<10000x16xf32, #tpu.memory_space<vmem_shared>> -> memref<80x16xf32, #tpu.memory_space<vmem_shared>>
          tpu.wait_dma2 semaphore(%run_scoped3A : memref<!tpu.dma_semaphore, #tpu.memory_space<semaphore_mem>>) src(%arg15 : memref<80x16xf32, #tpu.memory_space<vmem>>) dst(%dma_wait3A_56 : memref<80x16xf32, #tpu.memory_space<vmem_shared>>)
          tpu.yield
        }) : () -> ()
      } else {
      }
    }
    %scan3A_3 = arith.constant 8 : i32
    %barrier3A = arith.constant 0 : index
    tpu.barrier barrier_id(%barrier3A)
    %lt3A = arith.constant 2 : i32
    %lt3A_4 = arith.cmpi slt, %arg1, %lt3A : i32
    %jit3A = arith.constant 1 : i32
    %jit3A_5 = arith.constant 0 : i32
    %select_n3A = arith.select %lt3A_4, %jit3A, %jit3A_5 : i32
    %add3A = arith.constant 78 : i32
    %add3A_6 = arith.addi %add3A, %select_n3A : i32
    %mul3A = arith.constant 78 : i32
    %mul3A_7 = arith.muli %arg1, %mul3A : i32
    %min3A = arith.constant 2 : i32
    %min3A_8 = arith.minsi %arg1, %min3A : i32
    %add3A_9 = arith.addi %mul3A_7, %min3A_8 : i32
    %sub3A = arith.constant 0 : i32
    %sub3A_10 = arith.subi %add3A_6, %sub3A : i32
    %sub3A_11 = arith.constant 1 : i32
    %sub3A_12 = arith.constant 1 : i32
    %sub3A_13 = arith.subi %sub3A_11, %sub3A_12 : i32
    %add3A_14 = arith.addi %sub3A_10, %sub3A_13 : i32
    %div3A = arith.constant 1 : i32
    %div3A_15 = arith.divsi %add3A_14, %div3A : i32
    %while3A = arith.constant 1 : i32
    %while3A_16 = arith.constant 0 : i32
    %while3A_17 = arith.constant 0 : i32
    %while3A_18 = arith.subi %div3A_15, %while3A_17 : i32
    %while3A_19 = arith.addi %while3A_17, %while3A_18 : i32
    %while3A_20 = arith.constant 1 : i32
    %while3A_21 = arith.divsi %while3A_18, %while3A_20 : i32
    %while3A_22 = arith.muli %while3A_21, %while3A_20 : i32
    %while3A_23 = arith.addi %while3A_17, %while3A_22 : i32
    %while3A_24 = arith.constant 1 : i32
    scf.for %while3A_34 = %while3A_17 to %while3A_23 step %while3A_24  : i32 {
      %mul3A_35 = arith.muli %while3A_34, %while3A : i32
      %add3A_36 = arith.addi %while3A_16, %mul3A_35 : i32
      %mul3A_37 = arith.constant 160000 : i32
      %mul3A_38 = arith.muli %arg0, %mul3A_37 : i32
      %add3A_39 = arith.addi %add3A_9, %add3A_36 : i32
      %mul3A_40 = arith.constant 128 : i32
      %mul3A_41 = arith.muli %add3A_39, %mul3A_40 : i32
      %add3A_42 = arith.addi %mul3A_38, %mul3A_41 : i32
      %run_scoped3A = arith.constant 0 : i32
      "tpu.region"() ({
        %run_scoped3A_45 = tpu.sem_alloc : memref<!tpu.dma_semaphore, #tpu.memory_space<semaphore_mem>>
        %dma_start3A = arith.constant 0 : i32
        %dma_start3A_46 = tpu.memref_slice %arg11[%run_scoped3A, %dma_start3A] : memref<1x128xi32, #tpu.memory_space<vmem>> -> memref<1x128xi32, #tpu.memory_space<vmem>>
        %dma_start3A_47 = tpu.memref_squeeze %dma_start3A_46 : memref<1x128xi32, #tpu.memory_space<vmem>> -> memref<128xi32, #tpu.memory_space<vmem>>
        %dma_start3A_48 = tpu.memref_slice %arg2[%add3A_42] : memref<320000xi32, #tpu.memory_space<hbm>> -> memref<128xi32, #tpu.memory_space<hbm>>
        %dma_start3A_49 = arith.constant 0 : i32
        %dma_start3A_50 = tpu.memref_slice %arg11[%run_scoped3A, %dma_start3A_49] : memref<1x128xi32, #tpu.memory_space<vmem>> -> memref<1x128xi32, #tpu.memory_space<vmem>>
        %dma_start3A_51 = tpu.memref_squeeze %dma_start3A_50 : memref<1x128xi32, #tpu.memory_space<vmem>> -> memref<128xi32, #tpu.memory_space<vmem>>
        %dma_start3A_52 = tpu.memref_slice %arg2[%add3A_42] : memref<320000xi32, #tpu.memory_space<hbm>> -> memref<128xi32, #tpu.memory_space<hbm>>
        tpu.enqueue_dma source(%dma_start3A_52 : memref<128xi32, #tpu.memory_space<hbm>>) target(%dma_start3A_51 : memref<128xi32, #tpu.memory_space<vmem>>) target_semaphore(%run_scoped3A_45 : memref<!tpu.dma_semaphore, #tpu.memory_space<semaphore_mem>>)
        %dma_wait3A = arith.constant 0 : i32
        %dma_wait3A_53 = tpu.memref_slice %arg11[%run_scoped3A, %dma_wait3A] : memref<1x128xi32, #tpu.memory_space<vmem>> -> memref<1x128xi32, #tpu.memory_space<vmem>>
        %dma_wait3A_54 = tpu.memref_squeeze %dma_wait3A_53 : memref<1x128xi32, #tpu.memory_space<vmem>> -> memref<128xi32, #tpu.memory_space<vmem>>
        %dma_wait3A_55 = tpu.memref_slice %arg2[%add3A_42] : memref<320000xi32, #tpu.memory_space<hbm>> -> memref<128xi32, #tpu.memory_space<hbm>>
        %dma_wait3A_56 = arith.constant 0 : i32
        %dma_wait3A_57 = tpu.memref_slice %arg11[%run_scoped3A, %dma_wait3A_56] : memref<1x128xi32, #tpu.memory_space<vmem>> -> memref<1x128xi32, #tpu.memory_space<vmem>>
        %dma_wait3A_58 = tpu.memref_squeeze %dma_wait3A_57 : memref<1x128xi32, #tpu.memory_space<vmem>> -> memref<128xi32, #tpu.memory_space<vmem>>
        %dma_wait3A_59 = tpu.memref_slice %arg2[%add3A_42] : memref<320000xi32, #tpu.memory_space<hbm>> -> memref<128xi32, #tpu.memory_space<hbm>>
        tpu.wait_dma2 semaphore(%run_scoped3A_45 : memref<!tpu.dma_semaphore, #tpu.memory_space<semaphore_mem>>) src(%dma_wait3A_59 : memref<128xi32, #tpu.memory_space<hbm>>) dst(%dma_wait3A_58 : memref<128xi32, #tpu.memory_space<vmem>>)
        tpu.yield
      }) : () -> ()
      "tpu.region"() ({
        %run_scoped3A_45 = tpu.sem_alloc : memref<!tpu.dma_semaphore, #tpu.memory_space<semaphore_mem>>
        %dma_start3A = arith.constant 0 : i32
        %dma_start3A_46 = tpu.memref_slice %arg3[%add3A_42, %dma_start3A] : memref<320000x128xf32, #tpu.memory_space<hbm>> -> memref<128x128xf32, #tpu.memory_space<hbm>>
        %dma_start3A_47 = arith.constant 0 : i32
        %dma_start3A_48 = tpu.memref_slice %arg3[%add3A_42, %dma_start3A_47] : memref<320000x128xf32, #tpu.memory_space<hbm>> -> memref<128x128xf32, #tpu.memory_space<hbm>>
        tpu.enqueue_dma source(%dma_start3A_48 : memref<128x128xf32, #tpu.memory_space<hbm>>) target(%arg12 : memref<128x128xf32, #tpu.memory_space<vmem>>) target_semaphore(%run_scoped3A_45 : memref<!tpu.dma_semaphore, #tpu.memory_space<semaphore_mem>>)
        %dma_wait3A = arith.constant 0 : i32
        %dma_wait3A_49 = tpu.memref_slice %arg3[%add3A_42, %dma_wait3A] : memref<320000x128xf32, #tpu.memory_space<hbm>> -> memref<128x128xf32, #tpu.memory_space<hbm>>
        %dma_wait3A_50 = arith.constant 0 : i32
        %dma_wait3A_51 = tpu.memref_slice %arg3[%add3A_42, %dma_wait3A_50] : memref<320000x128xf32, #tpu.memory_space<hbm>> -> memref<128x128xf32, #tpu.memory_space<hbm>>
        tpu.wait_dma2 semaphore(%run_scoped3A_45 : memref<!tpu.dma_semaphore, #tpu.memory_space<semaphore_mem>>) src(%dma_wait3A_51 : memref<128x128xf32, #tpu.memory_space<hbm>>) dst(%arg12 : memref<128x128xf32, #tpu.memory_space<vmem>>)
        tpu.yield
      }) : () -> ()
      "tpu.region"() ({
        %run_scoped3A_45 = tpu.sem_alloc : memref<!tpu.dma_semaphore, #tpu.memory_space<semaphore_mem>>
        %dma_start3A = arith.constant 0 : i32
        %dma_start3A_46 = tpu.memref_slice %arg4[%add3A_42, %dma_start3A] : memref<320000x16xf32, #tpu.memory_space<hbm>> -> memref<128x16xf32, #tpu.memory_space<hbm>>
        %dma_start3A_47 = arith.constant 0 : i32
        %dma_start3A_48 = tpu.memref_slice %arg4[%add3A_42, %dma_start3A_47] : memref<320000x16xf32, #tpu.memory_space<hbm>> -> memref<128x16xf32, #tpu.memory_space<hbm>>
        tpu.enqueue_dma source(%dma_start3A_48 : memref<128x16xf32, #tpu.memory_space<hbm>>) target(%arg13 : memref<128x16xf32, #tpu.memory_space<vmem>>) target_semaphore(%run_scoped3A_45 : memref<!tpu.dma_semaphore, #tpu.memory_space<semaphore_mem>>)
        %dma_wait3A = arith.constant 0 : i32
        %dma_wait3A_49 = tpu.memref_slice %arg4[%add3A_42, %dma_wait3A] : memref<320000x16xf32, #tpu.memory_space<hbm>> -> memref<128x16xf32, #tpu.memory_space<hbm>>
        %dma_wait3A_50 = arith.constant 0 : i32
        %dma_wait3A_51 = tpu.memref_slice %arg4[%add3A_42, %dma_wait3A_50] : memref<320000x16xf32, #tpu.memory_space<hbm>> -> memref<128x16xf32, #tpu.memory_space<hbm>>
        tpu.wait_dma2 semaphore(%run_scoped3A_45 : memref<!tpu.dma_semaphore, #tpu.memory_space<semaphore_mem>>) src(%dma_wait3A_51 : memref<128x16xf32, #tpu.memory_space<hbm>>) dst(%arg13 : memref<128x16xf32, #tpu.memory_space<vmem>>)
        tpu.yield
      }) : () -> ()
      %run_scoped3A_43 = arith.constant 0 : i32
      "tpu.region"() ({
        %run_scoped3A_45 = tpu.sem_alloc : memref<!tpu.dma_semaphore, #tpu.memory_space<semaphore_mem>>
        %dma_start3A = arith.constant 0 : i32
        %dma_start3A_46 = tpu.memref_slice %arg11[%run_scoped3A_43, %dma_start3A] : memref<1x128xi32, #tpu.memory_space<vmem>> -> memref<1x128xi32, #tpu.memory_space<vmem>>
        %dma_start3A_47 = tpu.memref_squeeze %dma_start3A_46 : memref<1x128xi32, #tpu.memory_space<vmem>> -> memref<128xi32, #tpu.memory_space<vmem>>
        %dma_start3A_48 = arith.constant 0 : i32
        %dma_start3A_49 = arith.constant 0 : i32
        %dma_start3A_50 = tpu.memref_slice %arg16[%dma_start3A_48, %dma_start3A_49] : memref<10000x128xf32, #tpu.memory_space<vmem_shared>> -> memref<10000x128xf32, #tpu.memory_space<vmem_shared>>
        tpu.enqueue_indirect_dma source(%arg12 : memref<128x128xf32, #tpu.memory_space<vmem>>) target(%dma_start3A_50 : memref<10000x128xf32, #tpu.memory_space<vmem_shared>>) offsets(%dma_start3A_47 : memref<128xi32, #tpu.memory_space<vmem>>) semaphore(%run_scoped3A_45 : memref<!tpu.dma_semaphore, #tpu.memory_space<semaphore_mem>>) {add = true}
        %dma_wait3A = arith.constant 0 : i32
        %dma_wait3A_51 = tpu.memref_slice %arg11[%run_scoped3A_43, %dma_wait3A] : memref<1x128xi32, #tpu.memory_space<vmem>> -> memref<1x128xi32, #tpu.memory_space<vmem>>
        %dma_wait3A_52 = tpu.memref_squeeze %dma_wait3A_51 : memref<1x128xi32, #tpu.memory_space<vmem>> -> memref<128xi32, #tpu.memory_space<vmem>>
        %dma_wait3A_53 = arith.constant 0 : i32
        %dma_wait3A_54 = arith.constant 0 : i32
        %dma_wait3A_55 = tpu.memref_slice %arg16[%dma_wait3A_53, %dma_wait3A_54] : memref<10000x128xf32, #tpu.memory_space<vmem_shared>> -> memref<10000x128xf32, #tpu.memory_space<vmem_shared>>
        tpu.wait_indirect_dma semaphore(%run_scoped3A_45 : memref<!tpu.dma_semaphore, #tpu.memory_space<semaphore_mem>>) src(%arg12 : memref<128x128xf32, #tpu.memory_space<vmem>>) dst(%dma_wait3A_55 : memref<10000x128xf32, #tpu.memory_space<vmem_shared>>)
        tpu.yield
      }) : () -> ()
      %run_scoped3A_44 = arith.constant 0 : i32
      "tpu.region"() ({
        %run_scoped3A_45 = tpu.sem_alloc : memref<!tpu.dma_semaphore, #tpu.memory_space<semaphore_mem>>
        %dma_start3A = arith.constant 0 : i32
        %dma_start3A_46 = tpu.memref_slice %arg11[%run_scoped3A_44, %dma_start3A] : memref<1x128xi32, #tpu.memory_space<vmem>> -> memref<1x128xi32, #tpu.memory_space<vmem>>
        %dma_start3A_47 = tpu.memref_squeeze %dma_start3A_46 : memref<1x128xi32, #tpu.memory_space<vmem>> -> memref<128xi32, #tpu.memory_space<vmem>>
        %dma_start3A_48 = arith.constant 0 : i32
        %dma_start3A_49 = arith.constant 0 : i32
        %dma_start3A_50 = tpu.memref_slice %arg17[%dma_start3A_48, %dma_start3A_49] : memref<10000x16xf32, #tpu.memory_space<vmem_shared>> -> memref<10000x16xf32, #tpu.memory_space<vmem_shared>>
        tpu.enqueue_indirect_dma source(%arg13 : memref<128x16xf32, #tpu.memory_space<vmem>>) target(%dma_start3A_50 : memref<10000x16xf32, #tpu.memory_space<vmem_shared>>) offsets(%dma_start3A_47 : memref<128xi32, #tpu.memory_space<vmem>>) semaphore(%run_scoped3A_45 : memref<!tpu.dma_semaphore, #tpu.memory_space<semaphore_mem>>) {add = true}
        %dma_wait3A = arith.constant 0 : i32
        %dma_wait3A_51 = tpu.memref_slice %arg11[%run_scoped3A_44, %dma_wait3A] : memref<1x128xi32, #tpu.memory_space<vmem>> -> memref<1x128xi32, #tpu.memory_space<vmem>>
        %dma_wait3A_52 = tpu.memref_squeeze %dma_wait3A_51 : memref<1x128xi32, #tpu.memory_space<vmem>> -> memref<128xi32, #tpu.memory_space<vmem>>
        %dma_wait3A_53 = arith.constant 0 : i32
        %dma_wait3A_54 = arith.constant 0 : i32
        %dma_wait3A_55 = tpu.memref_slice %arg17[%dma_wait3A_53, %dma_wait3A_54] : memref<10000x16xf32, #tpu.memory_space<vmem_shared>> -> memref<10000x16xf32, #tpu.memory_space<vmem_shared>>
        tpu.wait_indirect_dma semaphore(%run_scoped3A_45 : memref<!tpu.dma_semaphore, #tpu.memory_space<semaphore_mem>>) src(%arg13 : memref<128x16xf32, #tpu.memory_space<vmem>>) dst(%dma_wait3A_55 : memref<10000x16xf32, #tpu.memory_space<vmem_shared>>)
        tpu.yield
      }) : () -> ()
    }
    %while3A_25 = arith.constant 1 : i32
    scf.for %while3A_34 = %while3A_23 to %while3A_19 step %while3A_25  : i32 {
      %mul3A_35 = arith.muli %while3A_34, %while3A : i32
      %add3A_36 = arith.addi %while3A_16, %mul3A_35 : i32
      %mul3A_37 = arith.constant 160000 : i32
      %mul3A_38 = arith.muli %arg0, %mul3A_37 : i32
      %add3A_39 = arith.addi %add3A_9, %add3A_36 : i32
      %mul3A_40 = arith.constant 128 : i32
      %mul3A_41 = arith.muli %add3A_39, %mul3A_40 : i32
      %add3A_42 = arith.addi %mul3A_38, %mul3A_41 : i32
      %run_scoped3A = arith.constant 0 : i32
      "tpu.region"() ({
        %run_scoped3A_45 = tpu.sem_alloc : memref<!tpu.dma_semaphore, #tpu.memory_space<semaphore_mem>>
        %dma_start3A = arith.constant 0 : i32
        %dma_start3A_46 = tpu.memref_slice %arg11[%run_scoped3A, %dma_start3A] : memref<1x128xi32, #tpu.memory_space<vmem>> -> memref<1x128xi32, #tpu.memory_space<vmem>>
        %dma_start3A_47 = tpu.memref_squeeze %dma_start3A_46 : memref<1x128xi32, #tpu.memory_space<vmem>> -> memref<128xi32, #tpu.memory_space<vmem>>
        %dma_start3A_48 = tpu.memref_slice %arg2[%add3A_42] : memref<320000xi32, #tpu.memory_space<hbm>> -> memref<128xi32, #tpu.memory_space<hbm>>
        %dma_start3A_49 = arith.constant 0 : i32
        %dma_start3A_50 = tpu.memref_slice %arg11[%run_scoped3A, %dma_start3A_49] : memref<1x128xi32, #tpu.memory_space<vmem>> -> memref<1x128xi32, #tpu.memory_space<vmem>>
        %dma_start3A_51 = tpu.memref_squeeze %dma_start3A_50 : memref<1x128xi32, #tpu.memory_space<vmem>> -> memref<128xi32, #tpu.memory_space<vmem>>
        %dma_start3A_52 = tpu.memref_slice %arg2[%add3A_42] : memref<320000xi32, #tpu.memory_space<hbm>> -> memref<128xi32, #tpu.memory_space<hbm>>
        tpu.enqueue_dma source(%dma_start3A_52 : memref<128xi32, #tpu.memory_space<hbm>>) target(%dma_start3A_51 : memref<128xi32, #tpu.memory_space<vmem>>) target_semaphore(%run_scoped3A_45 : memref<!tpu.dma_semaphore, #tpu.memory_space<semaphore_mem>>)
        %dma_wait3A = arith.constant 0 : i32
        %dma_wait3A_53 = tpu.memref_slice %arg11[%run_scoped3A, %dma_wait3A] : memref<1x128xi32, #tpu.memory_space<vmem>> -> memref<1x128xi32, #tpu.memory_space<vmem>>
        %dma_wait3A_54 = tpu.memref_squeeze %dma_wait3A_53 : memref<1x128xi32, #tpu.memory_space<vmem>> -> memref<128xi32, #tpu.memory_space<vmem>>
        %dma_wait3A_55 = tpu.memref_slice %arg2[%add3A_42] : memref<320000xi32, #tpu.memory_space<hbm>> -> memref<128xi32, #tpu.memory_space<hbm>>
        %dma_wait3A_56 = arith.constant 0 : i32
        %dma_wait3A_57 = tpu.memref_slice %arg11[%run_scoped3A, %dma_wait3A_56] : memref<1x128xi32, #tpu.memory_space<vmem>> -> memref<1x128xi32, #tpu.memory_space<vmem>>
        %dma_wait3A_58 = tpu.memref_squeeze %dma_wait3A_57 : memref<1x128xi32, #tpu.memory_space<vmem>> -> memref<128xi32, #tpu.memory_space<vmem>>
        %dma_wait3A_59 = tpu.memref_slice %arg2[%add3A_42] : memref<320000xi32, #tpu.memory_space<hbm>> -> memref<128xi32, #tpu.memory_space<hbm>>
        tpu.wait_dma2 semaphore(%run_scoped3A_45 : memref<!tpu.dma_semaphore, #tpu.memory_space<semaphore_mem>>) src(%dma_wait3A_59 : memref<128xi32, #tpu.memory_space<hbm>>) dst(%dma_wait3A_58 : memref<128xi32, #tpu.memory_space<vmem>>)
        tpu.yield
      }) : () -> ()
      "tpu.region"() ({
        %run_scoped3A_45 = tpu.sem_alloc : memref<!tpu.dma_semaphore, #tpu.memory_space<semaphore_mem>>
        %dma_start3A = arith.constant 0 : i32
        %dma_start3A_46 = tpu.memref_slice %arg3[%add3A_42, %dma_start3A] : memref<320000x128xf32, #tpu.memory_space<hbm>> -> memref<128x128xf32, #tpu.memory_space<hbm>>
        %dma_start3A_47 = arith.constant 0 : i32
        %dma_start3A_48 = tpu.memref_slice %arg3[%add3A_42, %dma_start3A_47] : memref<320000x128xf32, #tpu.memory_space<hbm>> -> memref<128x128xf32, #tpu.memory_space<hbm>>
        tpu.enqueue_dma source(%dma_start3A_48 : memref<128x128xf32, #tpu.memory_space<hbm>>) target(%arg12 : memref<128x128xf32, #tpu.memory_space<vmem>>) target_semaphore(%run_scoped3A_45 : memref<!tpu.dma_semaphore, #tpu.memory_space<semaphore_mem>>)
        %dma_wait3A = arith.constant 0 : i32
        %dma_wait3A_49 = tpu.memref_slice %arg3[%add3A_42, %dma_wait3A] : memref<320000x128xf32, #tpu.memory_space<hbm>> -> memref<128x128xf32, #tpu.memory_space<hbm>>
        %dma_wait3A_50 = arith.constant 0 : i32
        %dma_wait3A_51 = tpu.memref_slice %arg3[%add3A_42, %dma_wait3A_50] : memref<320000x128xf32, #tpu.memory_space<hbm>> -> memref<128x128xf32, #tpu.memory_space<hbm>>
        tpu.wait_dma2 semaphore(%run_scoped3A_45 : memref<!tpu.dma_semaphore, #tpu.memory_space<semaphore_mem>>) src(%dma_wait3A_51 : memref<128x128xf32, #tpu.memory_space<hbm>>) dst(%arg12 : memref<128x128xf32, #tpu.memory_space<vmem>>)
        tpu.yield
      }) : () -> ()
      "tpu.region"() ({
        %run_scoped3A_45 = tpu.sem_alloc : memref<!tpu.dma_semaphore, #tpu.memory_space<semaphore_mem>>
        %dma_start3A = arith.constant 0 : i32
        %dma_start3A_46 = tpu.memref_slice %arg4[%add3A_42, %dma_start3A] : memref<320000x16xf32, #tpu.memory_space<hbm>> -> memref<128x16xf32, #tpu.memory_space<hbm>>
        %dma_start3A_47 = arith.constant 0 : i32
        %dma_start3A_48 = tpu.memref_slice %arg4[%add3A_42, %dma_start3A_47] : memref<320000x16xf32, #tpu.memory_space<hbm>> -> memref<128x16xf32, #tpu.memory_space<hbm>>
        tpu.enqueue_dma source(%dma_start3A_48 : memref<128x16xf32, #tpu.memory_space<hbm>>) target(%arg13 : memref<128x16xf32, #tpu.memory_space<vmem>>) target_semaphore(%run_scoped3A_45 : memref<!tpu.dma_semaphore, #tpu.memory_space<semaphore_mem>>)
        %dma_wait3A = arith.constant 0 : i32
        %dma_wait3A_49 = tpu.memref_slice %arg4[%add3A_42, %dma_wait3A] : memref<320000x16xf32, #tpu.memory_space<hbm>> -> memref<128x16xf32, #tpu.memory_space<hbm>>
        %dma_wait3A_50 = arith.constant 0 : i32
        %dma_wait3A_51 = tpu.memref_slice %arg4[%add3A_42, %dma_wait3A_50] : memref<320000x16xf32, #tpu.memory_space<hbm>> -> memref<128x16xf32, #tpu.memory_space<hbm>>
        tpu.wait_dma2 semaphore(%run_scoped3A_45 : memref<!tpu.dma_semaphore, #tpu.memory_space<semaphore_mem>>) src(%dma_wait3A_51 : memref<128x16xf32, #tpu.memory_space<hbm>>) dst(%arg13 : memref<128x16xf32, #tpu.memory_space<vmem>>)
        tpu.yield
      }) : () -> ()
      %run_scoped3A_43 = arith.constant 0 : i32
      "tpu.region"() ({
        %run_scoped3A_45 = tpu.sem_alloc : memref<!tpu.dma_semaphore, #tpu.memory_space<semaphore_mem>>
        %dma_start3A = arith.constant 0 : i32
        %dma_start3A_46 = tpu.memref_slice %arg11[%run_scoped3A_43, %dma_start3A] : memref<1x128xi32, #tpu.memory_space<vmem>> -> memref<1x128xi32, #tpu.memory_space<vmem>>
        %dma_start3A_47 = tpu.memref_squeeze %dma_start3A_46 : memref<1x128xi32, #tpu.memory_space<vmem>> -> memref<128xi32, #tpu.memory_space<vmem>>
        %dma_start3A_48 = arith.constant 0 : i32
        %dma_start3A_49 = arith.constant 0 : i32
        %dma_start3A_50 = tpu.memref_slice %arg16[%dma_start3A_48, %dma_start3A_49] : memref<10000x128xf32, #tpu.memory_space<vmem_shared>> -> memref<10000x128xf32, #tpu.memory_space<vmem_shared>>
        tpu.enqueue_indirect_dma source(%arg12 : memref<128x128xf32, #tpu.memory_space<vmem>>) target(%dma_start3A_50 : memref<10000x128xf32, #tpu.memory_space<vmem_shared>>) offsets(%dma_start3A_47 : memref<128xi32, #tpu.memory_space<vmem>>) semaphore(%run_scoped3A_45 : memref<!tpu.dma_semaphore, #tpu.memory_space<semaphore_mem>>) {add = true}
        %dma_wait3A = arith.constant 0 : i32
        %dma_wait3A_51 = tpu.memref_slice %arg11[%run_scoped3A_43, %dma_wait3A] : memref<1x128xi32, #tpu.memory_space<vmem>> -> memref<1x128xi32, #tpu.memory_space<vmem>>
        %dma_wait3A_52 = tpu.memref_squeeze %dma_wait3A_51 : memref<1x128xi32, #tpu.memory_space<vmem>> -> memref<128xi32, #tpu.memory_space<vmem>>
        %dma_wait3A_53 = arith.constant 0 : i32
        %dma_wait3A_54 = arith.constant 0 : i32
        %dma_wait3A_55 = tpu.memref_slice %arg16[%dma_wait3A_53, %dma_wait3A_54] : memref<10000x128xf32, #tpu.memory_space<vmem_shared>> -> memref<10000x128xf32, #tpu.memory_space<vmem_shared>>
        tpu.wait_indirect_dma semaphore(%run_scoped3A_45 : memref<!tpu.dma_semaphore, #tpu.memory_space<semaphore_mem>>) src(%arg12 : memref<128x128xf32, #tpu.memory_space<vmem>>) dst(%dma_wait3A_55 : memref<10000x128xf32, #tpu.memory_space<vmem_shared>>)
        tpu.yield
      }) : () -> ()
      %run_scoped3A_44 = arith.constant 0 : i32
      "tpu.region"() ({
        %run_scoped3A_45 = tpu.sem_alloc : memref<!tpu.dma_semaphore, #tpu.memory_space<semaphore_mem>>
        %dma_start3A = arith.constant 0 : i32
        %dma_start3A_46 = tpu.memref_slice %arg11[%run_scoped3A_44, %dma_start3A] : memref<1x128xi32, #tpu.memory_space<vmem>> -> memref<1x128xi32, #tpu.memory_space<vmem>>
        %dma_start3A_47 = tpu.memref_squeeze %dma_start3A_46 : memref<1x128xi32, #tpu.memory_space<vmem>> -> memref<128xi32, #tpu.memory_space<vmem>>
        %dma_start3A_48 = arith.constant 0 : i32
        %dma_start3A_49 = arith.constant 0 : i32
        %dma_start3A_50 = tpu.memref_slice %arg17[%dma_start3A_48, %dma_start3A_49] : memref<10000x16xf32, #tpu.memory_space<vmem_shared>> -> memref<10000x16xf32, #tpu.memory_space<vmem_shared>>
        tpu.enqueue_indirect_dma source(%arg13 : memref<128x16xf32, #tpu.memory_space<vmem>>) target(%dma_start3A_50 : memref<10000x16xf32, #tpu.memory_space<vmem_shared>>) offsets(%dma_start3A_47 : memref<128xi32, #tpu.memory_space<vmem>>) semaphore(%run_scoped3A_45 : memref<!tpu.dma_semaphore, #tpu.memory_space<semaphore_mem>>) {add = true}
        %dma_wait3A = arith.constant 0 : i32
        %dma_wait3A_51 = tpu.memref_slice %arg11[%run_scoped3A_44, %dma_wait3A] : memref<1x128xi32, #tpu.memory_space<vmem>> -> memref<1x128xi32, #tpu.memory_space<vmem>>
        %dma_wait3A_52 = tpu.memref_squeeze %dma_wait3A_51 : memref<1x128xi32, #tpu.memory_space<vmem>> -> memref<128xi32, #tpu.memory_space<vmem>>
        %dma_wait3A_53 = arith.constant 0 : i32
        %dma_wait3A_54 = arith.constant 0 : i32
        %dma_wait3A_55 = tpu.memref_slice %arg17[%dma_wait3A_53, %dma_wait3A_54] : memref<10000x16xf32, #tpu.memory_space<vmem_shared>> -> memref<10000x16xf32, #tpu.memory_space<vmem_shared>>
        tpu.wait_indirect_dma semaphore(%run_scoped3A_45 : memref<!tpu.dma_semaphore, #tpu.memory_space<semaphore_mem>>) src(%arg13 : memref<128x16xf32, #tpu.memory_space<vmem>>) dst(%dma_wait3A_55 : memref<10000x16xf32, #tpu.memory_space<vmem_shared>>)
        tpu.yield
      }) : () -> ()
    }
    %barrier3A_26 = arith.constant 0 : index
    tpu.barrier barrier_id(%barrier3A_26)
    %eq3A = arith.constant 0 : i32
    %eq3A_27 = arith.cmpi eq, %arg0, %eq3A : i32
    %convert_element_type3A = arith.extui %eq3A_27 : i1 to i32
    %cond3A = arith.constant 0 : i32
    %cond3A_28 = arith.cmpi ne, %convert_element_type3A, %cond3A : i32
    scf.if %cond3A_28 {
      %scan3A_34 = arith.constant 0 : i32
      %scan3A_35 = arith.constant 8 : i32
      %scan3A_36 = arith.addi %scan3A_34, %scan3A_35 : i32
      %scan3A_37 = arith.constant 1 : i32
      scf.for %scan3A_39 = %scan3A_34 to %scan3A_36 step %scan3A_37  : i32 {
        %mul3A_40 = arith.constant 1 : i32
        %mul3A_41 = arith.muli %scan3A_39, %mul3A_40 : i32
        %add3A_42 = arith.constant 0 : i32
        %add3A_43 = arith.addi %add3A_42, %mul3A_41 : i32
        %mul3A_44 = arith.constant 16 : i32
        %mul3A_45 = arith.muli %mul3A_44, %add3A_43 : i32
        %add3A_46 = arith.addi %arg1, %mul3A_45 : i32
        %lt3A_47 = arith.constant 125 : i32
        %lt3A_48 = arith.cmpi slt, %add3A_46, %lt3A_47 : i32
        %convert_element_type3A_49 = arith.extui %lt3A_48 : i1 to i32
        %cond3A_50 = arith.constant 0 : i32
        %cond3A_51 = arith.cmpi ne, %convert_element_type3A_49, %cond3A_50 : i32
        scf.if %cond3A_51 {
          %mul3A_52 = arith.constant 80 : i32
          %mul3A_53 = arith.muli %add3A_46, %mul3A_52 : i32
          "tpu.region"() ({
            %run_scoped3A = tpu.sem_alloc : memref<!tpu.dma_semaphore, #tpu.memory_space<semaphore_mem>>
            %dma_start3A = arith.constant 0 : i32
            %dma_start3A_60 = tpu.memref_slice %arg16[%mul3A_53, %dma_start3A] : memref<10000x128xf32, #tpu.memory_space<vmem_shared>> -> memref<80x128xf32, #tpu.memory_space<vmem_shared>>
            %dma_start3A_61 = arith.constant 0 : i32
            %dma_start3A_62 = tpu.memref_slice %arg16[%mul3A_53, %dma_start3A_61] : memref<10000x128xf32, #tpu.memory_space<vmem_shared>> -> memref<80x128xf32, #tpu.memory_space<vmem_shared>>
            tpu.enqueue_dma source(%dma_start3A_62 : memref<80x128xf32, #tpu.memory_space<vmem_shared>>) target(%arg14 : memref<80x128xf32, #tpu.memory_space<vmem>>) target_semaphore(%run_scoped3A : memref<!tpu.dma_semaphore, #tpu.memory_space<semaphore_mem>>)
            %dma_wait3A = arith.constant 0 : i32
            %dma_wait3A_63 = tpu.memref_slice %arg16[%mul3A_53, %dma_wait3A] : memref<10000x128xf32, #tpu.memory_space<vmem_shared>> -> memref<80x128xf32, #tpu.memory_space<vmem_shared>>
            %dma_wait3A_64 = arith.constant 0 : i32
            %dma_wait3A_65 = tpu.memref_slice %arg16[%mul3A_53, %dma_wait3A_64] : memref<10000x128xf32, #tpu.memory_space<vmem_shared>> -> memref<80x128xf32, #tpu.memory_space<vmem_shared>>
            tpu.wait_dma2 semaphore(%run_scoped3A : memref<!tpu.dma_semaphore, #tpu.memory_space<semaphore_mem>>) src(%dma_wait3A_65 : memref<80x128xf32, #tpu.memory_space<vmem_shared>>) dst(%arg14 : memref<80x128xf32, #tpu.memory_space<vmem>>)
            tpu.yield
          }) : () -> ()
          %mul3A_54 = arith.constant 80 : i32
          %mul3A_55 = arith.muli %add3A_46, %mul3A_54 : i32
          "tpu.region"() ({
            %run_scoped3A = tpu.sem_alloc : memref<!tpu.dma_semaphore, #tpu.memory_space<semaphore_mem>>
            %dma_start3A = arith.constant 0 : i32
            %dma_start3A_60 = tpu.memref_slice %arg7[%mul3A_55, %dma_start3A] : memref<10000x128xf32, #tpu.memory_space<hbm>> -> memref<80x128xf32, #tpu.memory_space<hbm>>
            %dma_start3A_61 = arith.constant 0 : i32
            %dma_start3A_62 = tpu.memref_slice %arg7[%mul3A_55, %dma_start3A_61] : memref<10000x128xf32, #tpu.memory_space<hbm>> -> memref<80x128xf32, #tpu.memory_space<hbm>>
            tpu.enqueue_dma source(%arg14 : memref<80x128xf32, #tpu.memory_space<vmem>>) target(%dma_start3A_62 : memref<80x128xf32, #tpu.memory_space<hbm>>) target_semaphore(%run_scoped3A : memref<!tpu.dma_semaphore, #tpu.memory_space<semaphore_mem>>)
            %dma_wait3A = arith.constant 0 : i32
            %dma_wait3A_63 = tpu.memref_slice %arg7[%mul3A_55, %dma_wait3A] : memref<10000x128xf32, #tpu.memory_space<hbm>> -> memref<80x128xf32, #tpu.memory_space<hbm>>
            %dma_wait3A_64 = arith.constant 0 : i32
            %dma_wait3A_65 = tpu.memref_slice %arg7[%mul3A_55, %dma_wait3A_64] : memref<10000x128xf32, #tpu.memory_space<hbm>> -> memref<80x128xf32, #tpu.memory_space<hbm>>
            tpu.wait_dma2 semaphore(%run_scoped3A : memref<!tpu.dma_semaphore, #tpu.memory_space<semaphore_mem>>) src(%arg14 : memref<80x128xf32, #tpu.memory_space<vmem>>) dst(%dma_wait3A_65 : memref<80x128xf32, #tpu.memory_space<hbm>>)
            tpu.yield
          }) : () -> ()
          %mul3A_56 = arith.constant 80 : i32
          %mul3A_57 = arith.muli %add3A_46, %mul3A_56 : i32
          "tpu.region"() ({
            %run_scoped3A = tpu.sem_alloc : memref<!tpu.dma_semaphore, #tpu.memory_space<semaphore_mem>>
            %dma_start3A = arith.constant 0 : i32
            %dma_start3A_60 = tpu.memref_slice %arg17[%mul3A_57, %dma_start3A] : memref<10000x16xf32, #tpu.memory_space<vmem_shared>> -> memref<80x16xf32, #tpu.memory_space<vmem_shared>>
            %dma_start3A_61 = arith.constant 0 : i32
            %dma_start3A_62 = tpu.memref_slice %arg17[%mul3A_57, %dma_start3A_61] : memref<10000x16xf32, #tpu.memory_space<vmem_shared>> -> memref<80x16xf32, #tpu.memory_space<vmem_shared>>
            tpu.enqueue_dma source(%dma_start3A_62 : memref<80x16xf32, #tpu.memory_space<vmem_shared>>) target(%arg15 : memref<80x16xf32, #tpu.memory_space<vmem>>) target_semaphore(%run_scoped3A : memref<!tpu.dma_semaphore, #tpu.memory_space<semaphore_mem>>)
            %dma_wait3A = arith.constant 0 : i32
            %dma_wait3A_63 = tpu.memref_slice %arg17[%mul3A_57, %dma_wait3A] : memref<10000x16xf32, #tpu.memory_space<vmem_shared>> -> memref<80x16xf32, #tpu.memory_space<vmem_shared>>
            %dma_wait3A_64 = arith.constant 0 : i32
            %dma_wait3A_65 = tpu.memref_slice %arg17[%mul3A_57, %dma_wait3A_64] : memref<10000x16xf32, #tpu.memory_space<vmem_shared>> -> memref<80x16xf32, #tpu.memory_space<vmem_shared>>
            tpu.wait_dma2 semaphore(%run_scoped3A : memref<!tpu.dma_semaphore, #tpu.memory_space<semaphore_mem>>) src(%dma_wait3A_65 : memref<80x16xf32, #tpu.memory_space<vmem_shared>>) dst(%arg15 : memref<80x16xf32, #tpu.memory_space<vmem>>)
            tpu.yield
          }) : () -> ()
          %mul3A_58 = arith.constant 80 : i32
          %mul3A_59 = arith.muli %add3A_46, %mul3A_58 : i32
          "tpu.region"() ({
            %run_scoped3A = tpu.sem_alloc : memref<!tpu.dma_semaphore, #tpu.memory_space<semaphore_mem>>
            %dma_start3A = arith.constant 0 : i32
            %dma_start3A_60 = tpu.memref_slice %arg9[%mul3A_59, %dma_start3A] : memref<10000x16xf32, #tpu.memory_space<hbm>> -> memref<80x16xf32, #tpu.memory_space<hbm>>
            %dma_start3A_61 = arith.constant 0 : i32
            %dma_start3A_62 = tpu.memref_slice %arg9[%mul3A_59, %dma_start3A_61] : memref<10000x16xf32, #tpu.memory_space<hbm>> -> memref<80x16xf32, #tpu.memory_space<hbm>>
            tpu.enqueue_dma source(%arg15 : memref<80x16xf32, #tpu.memory_space<vmem>>) target(%dma_start3A_62 : memref<80x16xf32, #tpu.memory_space<hbm>>) target_semaphore(%run_scoped3A : memref<!tpu.dma_semaphore, #tpu.memory_space<semaphore_mem>>)
            %dma_wait3A = arith.constant 0 : i32
            %dma_wait3A_63 = tpu.memref_slice %arg9[%mul3A_59, %dma_wait3A] : memref<10000x16xf32, #tpu.memory_space<hbm>> -> memref<80x16xf32, #tpu.memory_space<hbm>>
            %dma_wait3A_64 = arith.constant 0 : i32
            %dma_wait3A_65 = tpu.memref_slice %arg9[%mul3A_59, %dma_wait3A_64] : memref<10000x16xf32, #tpu.memory_space<hbm>> -> memref<80x16xf32, #tpu.memory_space<hbm>>
            tpu.wait_dma2 semaphore(%run_scoped3A : memref<!tpu.dma_semaphore, #tpu.memory_space<semaphore_mem>>) src(%arg15 : memref<80x16xf32, #tpu.memory_space<vmem>>) dst(%dma_wait3A_65 : memref<80x16xf32, #tpu.memory_space<hbm>>)
            tpu.yield
          }) : () -> ()
        } else {
        }
      }
      %scan3A_38 = arith.constant 8 : i32
    } else {
    }
    %eq3A_29 = arith.constant 1 : i32
    %eq3A_30 = arith.cmpi eq, %arg0, %eq3A_29 : i32
    %convert_element_type3A_31 = arith.extui %eq3A_30 : i1 to i32
    %cond3A_32 = arith.constant 0 : i32
    %cond3A_33 = arith.cmpi ne, %convert_element_type3A_31, %cond3A_32 : i32
    scf.if %cond3A_33 {
      %scan3A_34 = arith.constant 0 : i32
      %scan3A_35 = arith.constant 8 : i32
      %scan3A_36 = arith.addi %scan3A_34, %scan3A_35 : i32
      %scan3A_37 = arith.constant 1 : i32
      scf.for %scan3A_39 = %scan3A_34 to %scan3A_36 step %scan3A_37  : i32 {
        %mul3A_40 = arith.constant 1 : i32
        %mul3A_41 = arith.muli %scan3A_39, %mul3A_40 : i32
        %add3A_42 = arith.constant 0 : i32
        %add3A_43 = arith.addi %add3A_42, %mul3A_41 : i32
        %mul3A_44 = arith.constant 16 : i32
        %mul3A_45 = arith.muli %mul3A_44, %add3A_43 : i32
        %add3A_46 = arith.addi %arg1, %mul3A_45 : i32
        %lt3A_47 = arith.constant 125 : i32
        %lt3A_48 = arith.cmpi slt, %add3A_46, %lt3A_47 : i32
        %convert_element_type3A_49 = arith.extui %lt3A_48 : i1 to i32
        %cond3A_50 = arith.constant 0 : i32
        %cond3A_51 = arith.cmpi ne, %convert_element_type3A_49, %cond3A_50 : i32
        scf.if %cond3A_51 {
          %mul3A_52 = arith.constant 80 : i32
          %mul3A_53 = arith.muli %add3A_46, %mul3A_52 : i32
          "tpu.region"() ({
            %run_scoped3A = tpu.sem_alloc : memref<!tpu.dma_semaphore, #tpu.memory_space<semaphore_mem>>
            %dma_start3A = arith.constant 0 : i32
            %dma_start3A_60 = tpu.memref_slice %arg16[%mul3A_53, %dma_start3A] : memref<10000x128xf32, #tpu.memory_space<vmem_shared>> -> memref<80x128xf32, #tpu.memory_space<vmem_shared>>
            %dma_start3A_61 = arith.constant 0 : i32
            %dma_start3A_62 = tpu.memref_slice %arg16[%mul3A_53, %dma_start3A_61] : memref<10000x128xf32, #tpu.memory_space<vmem_shared>> -> memref<80x128xf32, #tpu.memory_space<vmem_shared>>
            tpu.enqueue_dma source(%dma_start3A_62 : memref<80x128xf32, #tpu.memory_space<vmem_shared>>) target(%arg14 : memref<80x128xf32, #tpu.memory_space<vmem>>) target_semaphore(%run_scoped3A : memref<!tpu.dma_semaphore, #tpu.memory_space<semaphore_mem>>)
            %dma_wait3A = arith.constant 0 : i32
            %dma_wait3A_63 = tpu.memref_slice %arg16[%mul3A_53, %dma_wait3A] : memref<10000x128xf32, #tpu.memory_space<vmem_shared>> -> memref<80x128xf32, #tpu.memory_space<vmem_shared>>
            %dma_wait3A_64 = arith.constant 0 : i32
            %dma_wait3A_65 = tpu.memref_slice %arg16[%mul3A_53, %dma_wait3A_64] : memref<10000x128xf32, #tpu.memory_space<vmem_shared>> -> memref<80x128xf32, #tpu.memory_space<vmem_shared>>
            tpu.wait_dma2 semaphore(%run_scoped3A : memref<!tpu.dma_semaphore, #tpu.memory_space<semaphore_mem>>) src(%dma_wait3A_65 : memref<80x128xf32, #tpu.memory_space<vmem_shared>>) dst(%arg14 : memref<80x128xf32, #tpu.memory_space<vmem>>)
            tpu.yield
          }) : () -> ()
          %mul3A_54 = arith.constant 80 : i32
          %mul3A_55 = arith.muli %add3A_46, %mul3A_54 : i32
          "tpu.region"() ({
            %run_scoped3A = tpu.sem_alloc : memref<!tpu.dma_semaphore, #tpu.memory_space<semaphore_mem>>
            %dma_start3A = arith.constant 0 : i32
            %dma_start3A_60 = tpu.memref_slice %arg8[%mul3A_55, %dma_start3A] : memref<10000x128xf32, #tpu.memory_space<hbm>> -> memref<80x128xf32, #tpu.memory_space<hbm>>
            %dma_start3A_61 = arith.constant 0 : i32
            %dma_start3A_62 = tpu.memref_slice %arg8[%mul3A_55, %dma_start3A_61] : memref<10000x128xf32, #tpu.memory_space<hbm>> -> memref<80x128xf32, #tpu.memory_space<hbm>>
            tpu.enqueue_dma source(%arg14 : memref<80x128xf32, #tpu.memory_space<vmem>>) target(%dma_start3A_62 : memref<80x128xf32, #tpu.memory_space<hbm>>) target_semaphore(%run_scoped3A : memref<!tpu.dma_semaphore, #tpu.memory_space<semaphore_mem>>)
            %dma_wait3A = arith.constant 0 : i32
            %dma_wait3A_63 = tpu.memref_slice %arg8[%mul3A_55, %dma_wait3A] : memref<10000x128xf32, #tpu.memory_space<hbm>> -> memref<80x128xf32, #tpu.memory_space<hbm>>
            %dma_wait3A_64 = arith.constant 0 : i32
            %dma_wait3A_65 = tpu.memref_slice %arg8[%mul3A_55, %dma_wait3A_64] : memref<10000x128xf32, #tpu.memory_space<hbm>> -> memref<80x128xf32, #tpu.memory_space<hbm>>
            tpu.wait_dma2 semaphore(%run_scoped3A : memref<!tpu.dma_semaphore, #tpu.memory_space<semaphore_mem>>) src(%arg14 : memref<80x128xf32, #tpu.memory_space<vmem>>) dst(%dma_wait3A_65 : memref<80x128xf32, #tpu.memory_space<hbm>>)
            tpu.yield
          }) : () -> ()
          %mul3A_56 = arith.constant 80 : i32
          %mul3A_57 = arith.muli %add3A_46, %mul3A_56 : i32
          "tpu.region"() ({
            %run_scoped3A = tpu.sem_alloc : memref<!tpu.dma_semaphore, #tpu.memory_space<semaphore_mem>>
            %dma_start3A = arith.constant 0 : i32
            %dma_start3A_60 = tpu.memref_slice %arg17[%mul3A_57, %dma_start3A] : memref<10000x16xf32, #tpu.memory_space<vmem_shared>> -> memref<80x16xf32, #tpu.memory_space<vmem_shared>>
            %dma_start3A_61 = arith.constant 0 : i32
            %dma_start3A_62 = tpu.memref_slice %arg17[%mul3A_57, %dma_start3A_61] : memref<10000x16xf32, #tpu.memory_space<vmem_shared>> -> memref<80x16xf32, #tpu.memory_space<vmem_shared>>
            tpu.enqueue_dma source(%dma_start3A_62 : memref<80x16xf32, #tpu.memory_space<vmem_shared>>) target(%arg15 : memref<80x16xf32, #tpu.memory_space<vmem>>) target_semaphore(%run_scoped3A : memref<!tpu.dma_semaphore, #tpu.memory_space<semaphore_mem>>)
            %dma_wait3A = arith.constant 0 : i32
            %dma_wait3A_63 = tpu.memref_slice %arg17[%mul3A_57, %dma_wait3A] : memref<10000x16xf32, #tpu.memory_space<vmem_shared>> -> memref<80x16xf32, #tpu.memory_space<vmem_shared>>
            %dma_wait3A_64 = arith.constant 0 : i32
            %dma_wait3A_65 = tpu.memref_slice %arg17[%mul3A_57, %dma_wait3A_64] : memref<10000x16xf32, #tpu.memory_space<vmem_shared>> -> memref<80x16xf32, #tpu.memory_space<vmem_shared>>
            tpu.wait_dma2 semaphore(%run_scoped3A : memref<!tpu.dma_semaphore, #tpu.memory_space<semaphore_mem>>) src(%dma_wait3A_65 : memref<80x16xf32, #tpu.memory_space<vmem_shared>>) dst(%arg15 : memref<80x16xf32, #tpu.memory_space<vmem>>)
            tpu.yield
          }) : () -> ()
          %mul3A_58 = arith.constant 80 : i32
          %mul3A_59 = arith.muli %add3A_46, %mul3A_58 : i32
          "tpu.region"() ({
            %run_scoped3A = tpu.sem_alloc : memref<!tpu.dma_semaphore, #tpu.memory_space<semaphore_mem>>
            %dma_start3A = arith.constant 0 : i32
            %dma_start3A_60 = tpu.memref_slice %arg10[%mul3A_59, %dma_start3A] : memref<10000x16xf32, #tpu.memory_space<hbm>> -> memref<80x16xf32, #tpu.memory_space<hbm>>
            %dma_start3A_61 = arith.constant 0 : i32
            %dma_start3A_62 = tpu.memref_slice %arg10[%mul3A_59, %dma_start3A_61] : memref<10000x16xf32, #tpu.memory_space<hbm>> -> memref<80x16xf32, #tpu.memory_space<hbm>>
            tpu.enqueue_dma source(%arg15 : memref<80x16xf32, #tpu.memory_space<vmem>>) target(%dma_start3A_62 : memref<80x16xf32, #tpu.memory_space<hbm>>) target_semaphore(%run_scoped3A : memref<!tpu.dma_semaphore, #tpu.memory_space<semaphore_mem>>)
            %dma_wait3A = arith.constant 0 : i32
            %dma_wait3A_63 = tpu.memref_slice %arg10[%mul3A_59, %dma_wait3A] : memref<10000x16xf32, #tpu.memory_space<hbm>> -> memref<80x16xf32, #tpu.memory_space<hbm>>
            %dma_wait3A_64 = arith.constant 0 : i32
            %dma_wait3A_65 = tpu.memref_slice %arg10[%mul3A_59, %dma_wait3A_64] : memref<10000x16xf32, #tpu.memory_space<hbm>> -> memref<80x16xf32, #tpu.memory_space<hbm>>
            tpu.wait_dma2 semaphore(%run_scoped3A : memref<!tpu.dma_semaphore, #tpu.memory_space<semaphore_mem>>) src(%arg15 : memref<80x16xf32, #tpu.memory_space<vmem>>) dst(%dma_wait3A_65 : memref<80x16xf32, #tpu.memory_space<hbm>>)
            tpu.yield
          }) : () -> ()
        } else {
        }
      }
      %scan3A_38 = arith.constant 8 : i32
    } else {
    }
    return
  }
}

#map = affine_map<(d0, d1) -> (0, 0)>
#map1 = affine_map<(d0, d1) -> (0)>
module attributes {stable_mosaic.version = 14 : i64} {
  func.func @k(%arg0: i32, %arg1: i32, %arg2: memref<10000x128xf32, #tpu.memory_space<hbm>>, %arg3: memref<10000x128xf32, #tpu.memory_space<hbm>>, %arg4: memref<10000x16xf32, #tpu.memory_space<hbm>>, %arg5: memref<320000xi32, #tpu.memory_space<hbm>>, %arg6: memref<320000xi32, #tpu.memory_space<hbm>>, %arg7: memref<320000x128xf32, #tpu.memory_space<hbm>>, %arg8: memref<320000x128xf32, #tpu.memory_space<hbm>>, %arg9: memref<320000x16xf32, #tpu.memory_space<hbm>>, %arg10: memref<320000x16xf32, #tpu.memory_space<hbm>>, %arg11: memref<2x128xi32, #tpu.memory_space<vmem>>, %arg12: memref<128x128xf32, #tpu.memory_space<vmem>>, %arg13: memref<128x128xf32, #tpu.memory_space<vmem>>, %arg14: memref<128x16xf32, #tpu.memory_space<vmem>>, %arg15: memref<128x16xf32, #tpu.memory_space<vmem>>, %arg16: memref<!tpu.dma_semaphore, #tpu.memory_space<semaphore_mem>>, %arg17: memref<!tpu.dma_semaphore, #tpu.memory_space<semaphore_mem>>, %arg18: memref<!tpu.dma_semaphore, #tpu.memory_space<semaphore_mem>>, %arg19: memref<!tpu.dma_semaphore, #tpu.memory_space<semaphore_mem>>) attributes {dimension_semantics = [#tpu.dimension_semantics<core_parallel>, #tpu.dimension_semantics<subcore_parallel>], iteration_bounds = array<i64: 2, 16>, scalar_prefetch = 0 : i64, scratch_operands = 9 : i64, tpu.core_type = #tpu.core_type<sc_vector_subcore>, window_params = [{transform_indices = #map}, {transform_indices = #map}, {transform_indices = #map}, {transform_indices = #map1}, {transform_indices = #map1}, {transform_indices = #map}, {transform_indices = #map}, {transform_indices = #map}, {transform_indices = #map}]} {
    %mul3A = arith.constant 2 : i32
    %mul3A_0 = arith.muli %arg1, %mul3A : i32
    %add3A = arith.addi %mul3A_0, %arg0 : i32
    %lt3A = arith.constant 4 : i32
    %lt3A_1 = arith.cmpi slt, %add3A, %lt3A : i32
    %jit3A = arith.constant 1 : i32
    %jit3A_2 = arith.constant 0 : i32
    %select_n3A = arith.select %lt3A_1, %jit3A, %jit3A_2 : i32
    %add3A_3 = arith.constant 78 : i32
    %add3A_4 = arith.addi %add3A_3, %select_n3A : i32
    %mul3A_5 = arith.constant 78 : i32
    %mul3A_6 = arith.muli %add3A, %mul3A_5 : i32
    %min3A = arith.constant 4 : i32
    %min3A_7 = arith.minsi %add3A, %min3A : i32
    %add3A_8 = arith.addi %mul3A_6, %min3A_7 : i32
    %sub3A = arith.constant 0 : i32
    %sub3A_9 = arith.subi %add3A_4, %sub3A : i32
    %sub3A_10 = arith.constant 1 : i32
    %sub3A_11 = arith.constant 1 : i32
    %sub3A_12 = arith.subi %sub3A_10, %sub3A_11 : i32
    %add3A_13 = arith.addi %sub3A_9, %sub3A_12 : i32
    %div3A = arith.constant 1 : i32
    %div3A_14 = arith.divsi %add3A_13, %div3A : i32
    %while3A = arith.constant 1 : i32
    %while3A_15 = arith.constant 0 : i32
    %while3A_16 = arith.constant 0 : i32
    %while3A_17 = arith.subi %div3A_14, %while3A_16 : i32
    %while3A_18 = arith.addi %while3A_16, %while3A_17 : i32
    %while3A_19 = arith.constant 1 : i32
    %while3A_20 = arith.divsi %while3A_17, %while3A_19 : i32
    %while3A_21 = arith.muli %while3A_20, %while3A_19 : i32
    %while3A_22 = arith.addi %while3A_16, %while3A_21 : i32
    %while3A_23 = arith.constant 1 : i32
    scf.for %while3A_25 = %while3A_16 to %while3A_22 step %while3A_23  : i32 {
      %mul3A_26 = arith.muli %while3A_25, %while3A : i32
      %add3A_27 = arith.addi %while3A_15, %mul3A_26 : i32
      %add3A_28 = arith.addi %add3A_8, %add3A_27 : i32
      %mul3A_29 = arith.constant 128 : i32
      %mul3A_30 = arith.muli %add3A_28, %mul3A_29 : i32
      %run_scoped3A = arith.constant 0 : i32
      "tpu.region"() ({
        %run_scoped3A_86 = tpu.sem_alloc : memref<!tpu.dma_semaphore, #tpu.memory_space<semaphore_mem>>
        %dma_start3A_87 = arith.constant 0 : i32
        %dma_start3A_88 = tpu.memref_slice %arg11[%run_scoped3A, %dma_start3A_87] : memref<2x128xi32, #tpu.memory_space<vmem>> -> memref<1x128xi32, #tpu.memory_space<vmem>>
        %dma_start3A_89 = tpu.memref_squeeze %dma_start3A_88 : memref<1x128xi32, #tpu.memory_space<vmem>> -> memref<128xi32, #tpu.memory_space<vmem>>
        %dma_start3A_90 = tpu.memref_slice %arg5[%mul3A_30] : memref<320000xi32, #tpu.memory_space<hbm>> -> memref<128xi32, #tpu.memory_space<hbm>>
        %dma_start3A_91 = arith.constant 0 : i32
        %dma_start3A_92 = tpu.memref_slice %arg11[%run_scoped3A, %dma_start3A_91] : memref<2x128xi32, #tpu.memory_space<vmem>> -> memref<1x128xi32, #tpu.memory_space<vmem>>
        %dma_start3A_93 = tpu.memref_squeeze %dma_start3A_92 : memref<1x128xi32, #tpu.memory_space<vmem>> -> memref<128xi32, #tpu.memory_space<vmem>>
        %dma_start3A_94 = tpu.memref_slice %arg5[%mul3A_30] : memref<320000xi32, #tpu.memory_space<hbm>> -> memref<128xi32, #tpu.memory_space<hbm>>
        tpu.enqueue_dma source(%dma_start3A_94 : memref<128xi32, #tpu.memory_space<hbm>>) target(%dma_start3A_93 : memref<128xi32, #tpu.memory_space<vmem>>) target_semaphore(%run_scoped3A_86 : memref<!tpu.dma_semaphore, #tpu.memory_space<semaphore_mem>>)
        %dma_wait3A_95 = arith.constant 0 : i32
        %dma_wait3A_96 = tpu.memref_slice %arg11[%run_scoped3A, %dma_wait3A_95] : memref<2x128xi32, #tpu.memory_space<vmem>> -> memref<1x128xi32, #tpu.memory_space<vmem>>
        %dma_wait3A_97 = tpu.memref_squeeze %dma_wait3A_96 : memref<1x128xi32, #tpu.memory_space<vmem>> -> memref<128xi32, #tpu.memory_space<vmem>>
        %dma_wait3A_98 = tpu.memref_slice %arg5[%mul3A_30] : memref<320000xi32, #tpu.memory_space<hbm>> -> memref<128xi32, #tpu.memory_space<hbm>>
        %dma_wait3A_99 = arith.constant 0 : i32
        %dma_wait3A_100 = tpu.memref_slice %arg11[%run_scoped3A, %dma_wait3A_99] : memref<2x128xi32, #tpu.memory_space<vmem>> -> memref<1x128xi32, #tpu.memory_space<vmem>>
        %dma_wait3A_101 = tpu.memref_squeeze %dma_wait3A_100 : memref<1x128xi32, #tpu.memory_space<vmem>> -> memref<128xi32, #tpu.memory_space<vmem>>
        %dma_wait3A_102 = tpu.memref_slice %arg5[%mul3A_30] : memref<320000xi32, #tpu.memory_space<hbm>> -> memref<128xi32, #tpu.memory_space<hbm>>
        tpu.wait_dma2 semaphore(%run_scoped3A_86 : memref<!tpu.dma_semaphore, #tpu.memory_space<semaphore_mem>>) src(%dma_wait3A_102 : memref<128xi32, #tpu.memory_space<hbm>>) dst(%dma_wait3A_101 : memref<128xi32, #tpu.memory_space<vmem>>)
        tpu.yield
      }) : () -> ()
      %run_scoped3A_31 = arith.constant 1 : i32
      "tpu.region"() ({
        %run_scoped3A_86 = tpu.sem_alloc : memref<!tpu.dma_semaphore, #tpu.memory_space<semaphore_mem>>
        %dma_start3A_87 = arith.constant 0 : i32
        %dma_start3A_88 = tpu.memref_slice %arg11[%run_scoped3A_31, %dma_start3A_87] : memref<2x128xi32, #tpu.memory_space<vmem>> -> memref<1x128xi32, #tpu.memory_space<vmem>>
        %dma_start3A_89 = tpu.memref_squeeze %dma_start3A_88 : memref<1x128xi32, #tpu.memory_space<vmem>> -> memref<128xi32, #tpu.memory_space<vmem>>
        %dma_start3A_90 = tpu.memref_slice %arg6[%mul3A_30] : memref<320000xi32, #tpu.memory_space<hbm>> -> memref<128xi32, #tpu.memory_space<hbm>>
        %dma_start3A_91 = arith.constant 0 : i32
        %dma_start3A_92 = tpu.memref_slice %arg11[%run_scoped3A_31, %dma_start3A_91] : memref<2x128xi32, #tpu.memory_space<vmem>> -> memref<1x128xi32, #tpu.memory_space<vmem>>
        %dma_start3A_93 = tpu.memref_squeeze %dma_start3A_92 : memref<1x128xi32, #tpu.memory_space<vmem>> -> memref<128xi32, #tpu.memory_space<vmem>>
        %dma_start3A_94 = tpu.memref_slice %arg6[%mul3A_30] : memref<320000xi32, #tpu.memory_space<hbm>> -> memref<128xi32, #tpu.memory_space<hbm>>
        tpu.enqueue_dma source(%dma_start3A_94 : memref<128xi32, #tpu.memory_space<hbm>>) target(%dma_start3A_93 : memref<128xi32, #tpu.memory_space<vmem>>) target_semaphore(%run_scoped3A_86 : memref<!tpu.dma_semaphore, #tpu.memory_space<semaphore_mem>>)
        %dma_wait3A_95 = arith.constant 0 : i32
        %dma_wait3A_96 = tpu.memref_slice %arg11[%run_scoped3A_31, %dma_wait3A_95] : memref<2x128xi32, #tpu.memory_space<vmem>> -> memref<1x128xi32, #tpu.memory_space<vmem>>
        %dma_wait3A_97 = tpu.memref_squeeze %dma_wait3A_96 : memref<1x128xi32, #tpu.memory_space<vmem>> -> memref<128xi32, #tpu.memory_space<vmem>>
        %dma_wait3A_98 = tpu.memref_slice %arg6[%mul3A_30] : memref<320000xi32, #tpu.memory_space<hbm>> -> memref<128xi32, #tpu.memory_space<hbm>>
        %dma_wait3A_99 = arith.constant 0 : i32
        %dma_wait3A_100 = tpu.memref_slice %arg11[%run_scoped3A_31, %dma_wait3A_99] : memref<2x128xi32, #tpu.memory_space<vmem>> -> memref<1x128xi32, #tpu.memory_space<vmem>>
        %dma_wait3A_101 = tpu.memref_squeeze %dma_wait3A_100 : memref<1x128xi32, #tpu.memory_space<vmem>> -> memref<128xi32, #tpu.memory_space<vmem>>
        %dma_wait3A_102 = tpu.memref_slice %arg6[%mul3A_30] : memref<320000xi32, #tpu.memory_space<hbm>> -> memref<128xi32, #tpu.memory_space<hbm>>
        tpu.wait_dma2 semaphore(%run_scoped3A_86 : memref<!tpu.dma_semaphore, #tpu.memory_space<semaphore_mem>>) src(%dma_wait3A_102 : memref<128xi32, #tpu.memory_space<hbm>>) dst(%dma_wait3A_101 : memref<128xi32, #tpu.memory_space<vmem>>)
        tpu.yield
      }) : () -> ()
      %dma_start3A = arith.constant 0 : i32
      %dma_start3A_32 = arith.constant 0 : i32
      %dma_start3A_33 = tpu.memref_slice %arg11[%dma_start3A, %dma_start3A_32] : memref<2x128xi32, #tpu.memory_space<vmem>> -> memref<1x128xi32, #tpu.memory_space<vmem>>
      %dma_start3A_34 = tpu.memref_squeeze %dma_start3A_33 : memref<1x128xi32, #tpu.memory_space<vmem>> -> memref<128xi32, #tpu.memory_space<vmem>>
      %dma_start3A_35 = arith.constant 0 : i32
      %dma_start3A_36 = arith.constant 0 : i32
      %dma_start3A_37 = tpu.memref_slice %arg2[%dma_start3A_35, %dma_start3A_36] : memref<10000x128xf32, #tpu.memory_space<hbm>> -> memref<10000x128xf32, #tpu.memory_space<hbm>>
      tpu.enqueue_indirect_dma source(%dma_start3A_37 : memref<10000x128xf32, #tpu.memory_space<hbm>>) target(%arg12 : memref<128x128xf32, #tpu.memory_space<vmem>>) offsets(%dma_start3A_34 : memref<128xi32, #tpu.memory_space<vmem>>) semaphore(%arg16 : memref<!tpu.dma_semaphore, #tpu.memory_space<semaphore_mem>>)
      %dma_start3A_38 = arith.constant 1 : i32
      %dma_start3A_39 = arith.constant 0 : i32
      %dma_start3A_40 = tpu.memref_slice %arg11[%dma_start3A_38, %dma_start3A_39] : memref<2x128xi32, #tpu.memory_space<vmem>> -> memref<1x128xi32, #tpu.memory_space<vmem>>
      %dma_start3A_41 = tpu.memref_squeeze %dma_start3A_40 : memref<1x128xi32, #tpu.memory_space<vmem>> -> memref<128xi32, #tpu.memory_space<vmem>>
      %dma_start3A_42 = arith.constant 0 : i32
      %dma_start3A_43 = arith.constant 0 : i32
      %dma_start3A_44 = tpu.memref_slice %arg3[%dma_start3A_42, %dma_start3A_43] : memref<10000x128xf32, #tpu.memory_space<hbm>> -> memref<10000x128xf32, #tpu.memory_space<hbm>>
      tpu.enqueue_indirect_dma source(%dma_start3A_44 : memref<10000x128xf32, #tpu.memory_space<hbm>>) target(%arg13 : memref<128x128xf32, #tpu.memory_space<vmem>>) offsets(%dma_start3A_41 : memref<128xi32, #tpu.memory_space<vmem>>) semaphore(%arg17 : memref<!tpu.dma_semaphore, #tpu.memory_space<semaphore_mem>>)
      %dma_start3A_45 = arith.constant 0 : i32
      %dma_start3A_46 = arith.constant 0 : i32
      %dma_start3A_47 = tpu.memref_slice %arg11[%dma_start3A_45, %dma_start3A_46] : memref<2x128xi32, #tpu.memory_space<vmem>> -> memref<1x128xi32, #tpu.memory_space<vmem>>
      %dma_start3A_48 = tpu.memref_squeeze %dma_start3A_47 : memref<1x128xi32, #tpu.memory_space<vmem>> -> memref<128xi32, #tpu.memory_space<vmem>>
      %dma_start3A_49 = arith.constant 0 : i32
      %dma_start3A_50 = arith.constant 0 : i32
      %dma_start3A_51 = tpu.memref_slice %arg4[%dma_start3A_49, %dma_start3A_50] : memref<10000x16xf32, #tpu.memory_space<hbm>> -> memref<10000x16xf32, #tpu.memory_space<hbm>>
      tpu.enqueue_indirect_dma source(%dma_start3A_51 : memref<10000x16xf32, #tpu.memory_space<hbm>>) target(%arg14 : memref<128x16xf32, #tpu.memory_space<vmem>>) offsets(%dma_start3A_48 : memref<128xi32, #tpu.memory_space<vmem>>) semaphore(%arg18 : memref<!tpu.dma_semaphore, #tpu.memory_space<semaphore_mem>>)
      %dma_start3A_52 = arith.constant 1 : i32
      %dma_start3A_53 = arith.constant 0 : i32
      %dma_start3A_54 = tpu.memref_slice %arg11[%dma_start3A_52, %dma_start3A_53] : memref<2x128xi32, #tpu.memory_space<vmem>> -> memref<1x128xi32, #tpu.memory_space<vmem>>
      %dma_start3A_55 = tpu.memref_squeeze %dma_start3A_54 : memref<1x128xi32, #tpu.memory_space<vmem>> -> memref<128xi32, #tpu.memory_space<vmem>>
      %dma_start3A_56 = arith.constant 0 : i32
      %dma_start3A_57 = arith.constant 0 : i32
      %dma_start3A_58 = tpu.memref_slice %arg4[%dma_start3A_56, %dma_start3A_57] : memref<10000x16xf32, #tpu.memory_space<hbm>> -> memref<10000x16xf32, #tpu.memory_space<hbm>>
      tpu.enqueue_indirect_dma source(%dma_start3A_58 : memref<10000x16xf32, #tpu.memory_space<hbm>>) target(%arg15 : memref<128x16xf32, #tpu.memory_space<vmem>>) offsets(%dma_start3A_55 : memref<128xi32, #tpu.memory_space<vmem>>) semaphore(%arg19 : memref<!tpu.dma_semaphore, #tpu.memory_space<semaphore_mem>>)
      %dma_wait3A = arith.constant 0 : i32
      %dma_wait3A_59 = arith.constant 0 : i32
      %dma_wait3A_60 = tpu.memref_slice %arg11[%dma_wait3A, %dma_wait3A_59] : memref<2x128xi32, #tpu.memory_space<vmem>> -> memref<1x128xi32, #tpu.memory_space<vmem>>
      %dma_wait3A_61 = tpu.memref_squeeze %dma_wait3A_60 : memref<1x128xi32, #tpu.memory_space<vmem>> -> memref<128xi32, #tpu.memory_space<vmem>>
      %dma_wait3A_62 = arith.constant 0 : i32
      %dma_wait3A_63 = arith.constant 0 : i32
      %dma_wait3A_64 = tpu.memref_slice %arg2[%dma_wait3A_62, %dma_wait3A_63] : memref<10000x128xf32, #tpu.memory_space<hbm>> -> memref<10000x128xf32, #tpu.memory_space<hbm>>
      tpu.wait_indirect_dma semaphore(%arg16 : memref<!tpu.dma_semaphore, #tpu.memory_space<semaphore_mem>>) src(%dma_wait3A_64 : memref<10000x128xf32, #tpu.memory_space<hbm>>) dst(%arg12 : memref<128x128xf32, #tpu.memory_space<vmem>>)
      %dma_wait3A_65 = arith.constant 1 : i32
      %dma_wait3A_66 = arith.constant 0 : i32
      %dma_wait3A_67 = tpu.memref_slice %arg11[%dma_wait3A_65, %dma_wait3A_66] : memref<2x128xi32, #tpu.memory_space<vmem>> -> memref<1x128xi32, #tpu.memory_space<vmem>>
      %dma_wait3A_68 = tpu.memref_squeeze %dma_wait3A_67 : memref<1x128xi32, #tpu.memory_space<vmem>> -> memref<128xi32, #tpu.memory_space<vmem>>
      %dma_wait3A_69 = arith.constant 0 : i32
      %dma_wait3A_70 = arith.constant 0 : i32
      %dma_wait3A_71 = tpu.memref_slice %arg3[%dma_wait3A_69, %dma_wait3A_70] : memref<10000x128xf32, #tpu.memory_space<hbm>> -> memref<10000x128xf32, #tpu.memory_space<hbm>>
      tpu.wait_indirect_dma semaphore(%arg17 : memref<!tpu.dma_semaphore, #tpu.memory_space<semaphore_mem>>) src(%dma_wait3A_71 : memref<10000x128xf32, #tpu.memory_space<hbm>>) dst(%arg13 : memref<128x128xf32, #tpu.memory_space<vmem>>)
      %dma_wait3A_72 = arith.constant 0 : i32
      %dma_wait3A_73 = arith.constant 0 : i32
      %dma_wait3A_74 = tpu.memref_slice %arg11[%dma_wait3A_72, %dma_wait3A_73] : memref<2x128xi32, #tpu.memory_space<vmem>> -> memref<1x128xi32, #tpu.memory_space<vmem>>
      %dma_wait3A_75 = tpu.memref_squeeze %dma_wait3A_74 : memref<1x128xi32, #tpu.memory_space<vmem>> -> memref<128xi32, #tpu.memory_space<vmem>>
      %dma_wait3A_76 = arith.constant 0 : i32
      %dma_wait3A_77 = arith.constant 0 : i32
      %dma_wait3A_78 = tpu.memref_slice %arg4[%dma_wait3A_76, %dma_wait3A_77] : memref<10000x16xf32, #tpu.memory_space<hbm>> -> memref<10000x16xf32, #tpu.memory_space<hbm>>
      tpu.wait_indirect_dma semaphore(%arg18 : memref<!tpu.dma_semaphore, #tpu.memory_space<semaphore_mem>>) src(%dma_wait3A_78 : memref<10000x16xf32, #tpu.memory_space<hbm>>) dst(%arg14 : memref<128x16xf32, #tpu.memory_space<vmem>>)
      %dma_wait3A_79 = arith.constant 1 : i32
      %dma_wait3A_80 = arith.constant 0 : i32
      %dma_wait3A_81 = tpu.memref_slice %arg11[%dma_wait3A_79, %dma_wait3A_80] : memref<2x128xi32, #tpu.memory_space<vmem>> -> memref<1x128xi32, #tpu.memory_space<vmem>>
      %dma_wait3A_82 = tpu.memref_squeeze %dma_wait3A_81 : memref<1x128xi32, #tpu.memory_space<vmem>> -> memref<128xi32, #tpu.memory_space<vmem>>
      %dma_wait3A_83 = arith.constant 0 : i32
      %dma_wait3A_84 = arith.constant 0 : i32
      %dma_wait3A_85 = tpu.memref_slice %arg4[%dma_wait3A_83, %dma_wait3A_84] : memref<10000x16xf32, #tpu.memory_space<hbm>> -> memref<10000x16xf32, #tpu.memory_space<hbm>>
      tpu.wait_indirect_dma semaphore(%arg19 : memref<!tpu.dma_semaphore, #tpu.memory_space<semaphore_mem>>) src(%dma_wait3A_85 : memref<10000x16xf32, #tpu.memory_space<hbm>>) dst(%arg15 : memref<128x16xf32, #tpu.memory_space<vmem>>)
      "tpu.region"() ({
        %run_scoped3A_86 = tpu.sem_alloc : memref<!tpu.dma_semaphore, #tpu.memory_space<semaphore_mem>>
        %dma_start3A_87 = arith.constant 0 : i32
        %dma_start3A_88 = tpu.memref_slice %arg7[%mul3A_30, %dma_start3A_87] : memref<320000x128xf32, #tpu.memory_space<hbm>> -> memref<128x128xf32, #tpu.memory_space<hbm>>
        %dma_start3A_89 = arith.constant 0 : i32
        %dma_start3A_90 = tpu.memref_slice %arg7[%mul3A_30, %dma_start3A_89] : memref<320000x128xf32, #tpu.memory_space<hbm>> -> memref<128x128xf32, #tpu.memory_space<hbm>>
        tpu.enqueue_dma source(%arg12 : memref<128x128xf32, #tpu.memory_space<vmem>>) target(%dma_start3A_90 : memref<128x128xf32, #tpu.memory_space<hbm>>) target_semaphore(%run_scoped3A_86 : memref<!tpu.dma_semaphore, #tpu.memory_space<semaphore_mem>>)
        %dma_wait3A_91 = arith.constant 0 : i32
        %dma_wait3A_92 = tpu.memref_slice %arg7[%mul3A_30, %dma_wait3A_91] : memref<320000x128xf32, #tpu.memory_space<hbm>> -> memref<128x128xf32, #tpu.memory_space<hbm>>
        %dma_wait3A_93 = arith.constant 0 : i32
        %dma_wait3A_94 = tpu.memref_slice %arg7[%mul3A_30, %dma_wait3A_93] : memref<320000x128xf32, #tpu.memory_space<hbm>> -> memref<128x128xf32, #tpu.memory_space<hbm>>
        tpu.wait_dma2 semaphore(%run_scoped3A_86 : memref<!tpu.dma_semaphore, #tpu.memory_space<semaphore_mem>>) src(%arg12 : memref<128x128xf32, #tpu.memory_space<vmem>>) dst(%dma_wait3A_94 : memref<128x128xf32, #tpu.memory_space<hbm>>)
        tpu.yield
      }) : () -> ()
      "tpu.region"() ({
        %run_scoped3A_86 = tpu.sem_alloc : memref<!tpu.dma_semaphore, #tpu.memory_space<semaphore_mem>>
        %dma_start3A_87 = arith.constant 0 : i32
        %dma_start3A_88 = tpu.memref_slice %arg8[%mul3A_30, %dma_start3A_87] : memref<320000x128xf32, #tpu.memory_space<hbm>> -> memref<128x128xf32, #tpu.memory_space<hbm>>
        %dma_start3A_89 = arith.constant 0 : i32
        %dma_start3A_90 = tpu.memref_slice %arg8[%mul3A_30, %dma_start3A_89] : memref<320000x128xf32, #tpu.memory_space<hbm>> -> memref<128x128xf32, #tpu.memory_space<hbm>>
        tpu.enqueue_dma source(%arg13 : memref<128x128xf32, #tpu.memory_space<vmem>>) target(%dma_start3A_90 : memref<128x128xf32, #tpu.memory_space<hbm>>) target_semaphore(%run_scoped3A_86 : memref<!tpu.dma_semaphore, #tpu.memory_space<semaphore_mem>>)
        %dma_wait3A_91 = arith.constant 0 : i32
        %dma_wait3A_92 = tpu.memref_slice %arg8[%mul3A_30, %dma_wait3A_91] : memref<320000x128xf32, #tpu.memory_space<hbm>> -> memref<128x128xf32, #tpu.memory_space<hbm>>
        %dma_wait3A_93 = arith.constant 0 : i32
        %dma_wait3A_94 = tpu.memref_slice %arg8[%mul3A_30, %dma_wait3A_93] : memref<320000x128xf32, #tpu.memory_space<hbm>> -> memref<128x128xf32, #tpu.memory_space<hbm>>
        tpu.wait_dma2 semaphore(%run_scoped3A_86 : memref<!tpu.dma_semaphore, #tpu.memory_space<semaphore_mem>>) src(%arg13 : memref<128x128xf32, #tpu.memory_space<vmem>>) dst(%dma_wait3A_94 : memref<128x128xf32, #tpu.memory_space<hbm>>)
        tpu.yield
      }) : () -> ()
      "tpu.region"() ({
        %run_scoped3A_86 = tpu.sem_alloc : memref<!tpu.dma_semaphore, #tpu.memory_space<semaphore_mem>>
        %dma_start3A_87 = arith.constant 0 : i32
        %dma_start3A_88 = tpu.memref_slice %arg9[%mul3A_30, %dma_start3A_87] : memref<320000x16xf32, #tpu.memory_space<hbm>> -> memref<128x16xf32, #tpu.memory_space<hbm>>
        %dma_start3A_89 = arith.constant 0 : i32
        %dma_start3A_90 = tpu.memref_slice %arg9[%mul3A_30, %dma_start3A_89] : memref<320000x16xf32, #tpu.memory_space<hbm>> -> memref<128x16xf32, #tpu.memory_space<hbm>>
        tpu.enqueue_dma source(%arg14 : memref<128x16xf32, #tpu.memory_space<vmem>>) target(%dma_start3A_90 : memref<128x16xf32, #tpu.memory_space<hbm>>) target_semaphore(%run_scoped3A_86 : memref<!tpu.dma_semaphore, #tpu.memory_space<semaphore_mem>>)
        %dma_wait3A_91 = arith.constant 0 : i32
        %dma_wait3A_92 = tpu.memref_slice %arg9[%mul3A_30, %dma_wait3A_91] : memref<320000x16xf32, #tpu.memory_space<hbm>> -> memref<128x16xf32, #tpu.memory_space<hbm>>
        %dma_wait3A_93 = arith.constant 0 : i32
        %dma_wait3A_94 = tpu.memref_slice %arg9[%mul3A_30, %dma_wait3A_93] : memref<320000x16xf32, #tpu.memory_space<hbm>> -> memref<128x16xf32, #tpu.memory_space<hbm>>
        tpu.wait_dma2 semaphore(%run_scoped3A_86 : memref<!tpu.dma_semaphore, #tpu.memory_space<semaphore_mem>>) src(%arg14 : memref<128x16xf32, #tpu.memory_space<vmem>>) dst(%dma_wait3A_94 : memref<128x16xf32, #tpu.memory_space<hbm>>)
        tpu.yield
      }) : () -> ()
      "tpu.region"() ({
        %run_scoped3A_86 = tpu.sem_alloc : memref<!tpu.dma_semaphore, #tpu.memory_space<semaphore_mem>>
        %dma_start3A_87 = arith.constant 0 : i32
        %dma_start3A_88 = tpu.memref_slice %arg10[%mul3A_30, %dma_start3A_87] : memref<320000x16xf32, #tpu.memory_space<hbm>> -> memref<128x16xf32, #tpu.memory_space<hbm>>
        %dma_start3A_89 = arith.constant 0 : i32
        %dma_start3A_90 = tpu.memref_slice %arg10[%mul3A_30, %dma_start3A_89] : memref<320000x16xf32, #tpu.memory_space<hbm>> -> memref<128x16xf32, #tpu.memory_space<hbm>>
        tpu.enqueue_dma source(%arg15 : memref<128x16xf32, #tpu.memory_space<vmem>>) target(%dma_start3A_90 : memref<128x16xf32, #tpu.memory_space<hbm>>) target_semaphore(%run_scoped3A_86 : memref<!tpu.dma_semaphore, #tpu.memory_space<semaphore_mem>>)
        %dma_wait3A_91 = arith.constant 0 : i32
        %dma_wait3A_92 = tpu.memref_slice %arg10[%mul3A_30, %dma_wait3A_91] : memref<320000x16xf32, #tpu.memory_space<hbm>> -> memref<128x16xf32, #tpu.memory_space<hbm>>
        %dma_wait3A_93 = arith.constant 0 : i32
        %dma_wait3A_94 = tpu.memref_slice %arg10[%mul3A_30, %dma_wait3A_93] : memref<320000x16xf32, #tpu.memory_space<hbm>> -> memref<128x16xf32, #tpu.memory_space<hbm>>
        tpu.wait_dma2 semaphore(%run_scoped3A_86 : memref<!tpu.dma_semaphore, #tpu.memory_space<semaphore_mem>>) src(%arg15 : memref<128x16xf32, #tpu.memory_space<vmem>>) dst(%dma_wait3A_94 : memref<128x16xf32, #tpu.memory_space<hbm>>)
        tpu.yield
      }) : () -> ()
    }
    %while3A_24 = arith.constant 1 : i32
    scf.for %while3A_25 = %while3A_22 to %while3A_18 step %while3A_24  : i32 {
      %mul3A_26 = arith.muli %while3A_25, %while3A : i32
      %add3A_27 = arith.addi %while3A_15, %mul3A_26 : i32
      %add3A_28 = arith.addi %add3A_8, %add3A_27 : i32
      %mul3A_29 = arith.constant 128 : i32
      %mul3A_30 = arith.muli %add3A_28, %mul3A_29 : i32
      %run_scoped3A = arith.constant 0 : i32
      "tpu.region"() ({
        %run_scoped3A_86 = tpu.sem_alloc : memref<!tpu.dma_semaphore, #tpu.memory_space<semaphore_mem>>
        %dma_start3A_87 = arith.constant 0 : i32
        %dma_start3A_88 = tpu.memref_slice %arg11[%run_scoped3A, %dma_start3A_87] : memref<2x128xi32, #tpu.memory_space<vmem>> -> memref<1x128xi32, #tpu.memory_space<vmem>>
        %dma_start3A_89 = tpu.memref_squeeze %dma_start3A_88 : memref<1x128xi32, #tpu.memory_space<vmem>> -> memref<128xi32, #tpu.memory_space<vmem>>
        %dma_start3A_90 = tpu.memref_slice %arg5[%mul3A_30] : memref<320000xi32, #tpu.memory_space<hbm>> -> memref<128xi32, #tpu.memory_space<hbm>>
        %dma_start3A_91 = arith.constant 0 : i32
        %dma_start3A_92 = tpu.memref_slice %arg11[%run_scoped3A, %dma_start3A_91] : memref<2x128xi32, #tpu.memory_space<vmem>> -> memref<1x128xi32, #tpu.memory_space<vmem>>
        %dma_start3A_93 = tpu.memref_squeeze %dma_start3A_92 : memref<1x128xi32, #tpu.memory_space<vmem>> -> memref<128xi32, #tpu.memory_space<vmem>>
        %dma_start3A_94 = tpu.memref_slice %arg5[%mul3A_30] : memref<320000xi32, #tpu.memory_space<hbm>> -> memref<128xi32, #tpu.memory_space<hbm>>
        tpu.enqueue_dma source(%dma_start3A_94 : memref<128xi32, #tpu.memory_space<hbm>>) target(%dma_start3A_93 : memref<128xi32, #tpu.memory_space<vmem>>) target_semaphore(%run_scoped3A_86 : memref<!tpu.dma_semaphore, #tpu.memory_space<semaphore_mem>>)
        %dma_wait3A_95 = arith.constant 0 : i32
        %dma_wait3A_96 = tpu.memref_slice %arg11[%run_scoped3A, %dma_wait3A_95] : memref<2x128xi32, #tpu.memory_space<vmem>> -> memref<1x128xi32, #tpu.memory_space<vmem>>
        %dma_wait3A_97 = tpu.memref_squeeze %dma_wait3A_96 : memref<1x128xi32, #tpu.memory_space<vmem>> -> memref<128xi32, #tpu.memory_space<vmem>>
        %dma_wait3A_98 = tpu.memref_slice %arg5[%mul3A_30] : memref<320000xi32, #tpu.memory_space<hbm>> -> memref<128xi32, #tpu.memory_space<hbm>>
        %dma_wait3A_99 = arith.constant 0 : i32
        %dma_wait3A_100 = tpu.memref_slice %arg11[%run_scoped3A, %dma_wait3A_99] : memref<2x128xi32, #tpu.memory_space<vmem>> -> memref<1x128xi32, #tpu.memory_space<vmem>>
        %dma_wait3A_101 = tpu.memref_squeeze %dma_wait3A_100 : memref<1x128xi32, #tpu.memory_space<vmem>> -> memref<128xi32, #tpu.memory_space<vmem>>
        %dma_wait3A_102 = tpu.memref_slice %arg5[%mul3A_30] : memref<320000xi32, #tpu.memory_space<hbm>> -> memref<128xi32, #tpu.memory_space<hbm>>
        tpu.wait_dma2 semaphore(%run_scoped3A_86 : memref<!tpu.dma_semaphore, #tpu.memory_space<semaphore_mem>>) src(%dma_wait3A_102 : memref<128xi32, #tpu.memory_space<hbm>>) dst(%dma_wait3A_101 : memref<128xi32, #tpu.memory_space<vmem>>)
        tpu.yield
      }) : () -> ()
      %run_scoped3A_31 = arith.constant 1 : i32
      "tpu.region"() ({
        %run_scoped3A_86 = tpu.sem_alloc : memref<!tpu.dma_semaphore, #tpu.memory_space<semaphore_mem>>
        %dma_start3A_87 = arith.constant 0 : i32
        %dma_start3A_88 = tpu.memref_slice %arg11[%run_scoped3A_31, %dma_start3A_87] : memref<2x128xi32, #tpu.memory_space<vmem>> -> memref<1x128xi32, #tpu.memory_space<vmem>>
        %dma_start3A_89 = tpu.memref_squeeze %dma_start3A_88 : memref<1x128xi32, #tpu.memory_space<vmem>> -> memref<128xi32, #tpu.memory_space<vmem>>
        %dma_start3A_90 = tpu.memref_slice %arg6[%mul3A_30] : memref<320000xi32, #tpu.memory_space<hbm>> -> memref<128xi32, #tpu.memory_space<hbm>>
        %dma_start3A_91 = arith.constant 0 : i32
        %dma_start3A_92 = tpu.memref_slice %arg11[%run_scoped3A_31, %dma_start3A_91] : memref<2x128xi32, #tpu.memory_space<vmem>> -> memref<1x128xi32, #tpu.memory_space<vmem>>
        %dma_start3A_93 = tpu.memref_squeeze %dma_start3A_92 : memref<1x128xi32, #tpu.memory_space<vmem>> -> memref<128xi32, #tpu.memory_space<vmem>>
        %dma_start3A_94 = tpu.memref_slice %arg6[%mul3A_30] : memref<320000xi32, #tpu.memory_space<hbm>> -> memref<128xi32, #tpu.memory_space<hbm>>
        tpu.enqueue_dma source(%dma_start3A_94 : memref<128xi32, #tpu.memory_space<hbm>>) target(%dma_start3A_93 : memref<128xi32, #tpu.memory_space<vmem>>) target_semaphore(%run_scoped3A_86 : memref<!tpu.dma_semaphore, #tpu.memory_space<semaphore_mem>>)
        %dma_wait3A_95 = arith.constant 0 : i32
        %dma_wait3A_96 = tpu.memref_slice %arg11[%run_scoped3A_31, %dma_wait3A_95] : memref<2x128xi32, #tpu.memory_space<vmem>> -> memref<1x128xi32, #tpu.memory_space<vmem>>
        %dma_wait3A_97 = tpu.memref_squeeze %dma_wait3A_96 : memref<1x128xi32, #tpu.memory_space<vmem>> -> memref<128xi32, #tpu.memory_space<vmem>>
        %dma_wait3A_98 = tpu.memref_slice %arg6[%mul3A_30] : memref<320000xi32, #tpu.memory_space<hbm>> -> memref<128xi32, #tpu.memory_space<hbm>>
        %dma_wait3A_99 = arith.constant 0 : i32
        %dma_wait3A_100 = tpu.memref_slice %arg11[%run_scoped3A_31, %dma_wait3A_99] : memref<2x128xi32, #tpu.memory_space<vmem>> -> memref<1x128xi32, #tpu.memory_space<vmem>>
        %dma_wait3A_101 = tpu.memref_squeeze %dma_wait3A_100 : memref<1x128xi32, #tpu.memory_space<vmem>> -> memref<128xi32, #tpu.memory_space<vmem>>
        %dma_wait3A_102 = tpu.memref_slice %arg6[%mul3A_30] : memref<320000xi32, #tpu.memory_space<hbm>> -> memref<128xi32, #tpu.memory_space<hbm>>
        tpu.wait_dma2 semaphore(%run_scoped3A_86 : memref<!tpu.dma_semaphore, #tpu.memory_space<semaphore_mem>>) src(%dma_wait3A_102 : memref<128xi32, #tpu.memory_space<hbm>>) dst(%dma_wait3A_101 : memref<128xi32, #tpu.memory_space<vmem>>)
        tpu.yield
      }) : () -> ()
      %dma_start3A = arith.constant 0 : i32
      %dma_start3A_32 = arith.constant 0 : i32
      %dma_start3A_33 = tpu.memref_slice %arg11[%dma_start3A, %dma_start3A_32] : memref<2x128xi32, #tpu.memory_space<vmem>> -> memref<1x128xi32, #tpu.memory_space<vmem>>
      %dma_start3A_34 = tpu.memref_squeeze %dma_start3A_33 : memref<1x128xi32, #tpu.memory_space<vmem>> -> memref<128xi32, #tpu.memory_space<vmem>>
      %dma_start3A_35 = arith.constant 0 : i32
      %dma_start3A_36 = arith.constant 0 : i32
      %dma_start3A_37 = tpu.memref_slice %arg2[%dma_start3A_35, %dma_start3A_36] : memref<10000x128xf32, #tpu.memory_space<hbm>> -> memref<10000x128xf32, #tpu.memory_space<hbm>>
      tpu.enqueue_indirect_dma source(%dma_start3A_37 : memref<10000x128xf32, #tpu.memory_space<hbm>>) target(%arg12 : memref<128x128xf32, #tpu.memory_space<vmem>>) offsets(%dma_start3A_34 : memref<128xi32, #tpu.memory_space<vmem>>) semaphore(%arg16 : memref<!tpu.dma_semaphore, #tpu.memory_space<semaphore_mem>>)
      %dma_start3A_38 = arith.constant 1 : i32
      %dma_start3A_39 = arith.constant 0 : i32
      %dma_start3A_40 = tpu.memref_slice %arg11[%dma_start3A_38, %dma_start3A_39] : memref<2x128xi32, #tpu.memory_space<vmem>> -> memref<1x128xi32, #tpu.memory_space<vmem>>
      %dma_start3A_41 = tpu.memref_squeeze %dma_start3A_40 : memref<1x128xi32, #tpu.memory_space<vmem>> -> memref<128xi32, #tpu.memory_space<vmem>>
      %dma_start3A_42 = arith.constant 0 : i32
      %dma_start3A_43 = arith.constant 0 : i32
      %dma_start3A_44 = tpu.memref_slice %arg3[%dma_start3A_42, %dma_start3A_43] : memref<10000x128xf32, #tpu.memory_space<hbm>> -> memref<10000x128xf32, #tpu.memory_space<hbm>>
      tpu.enqueue_indirect_dma source(%dma_start3A_44 : memref<10000x128xf32, #tpu.memory_space<hbm>>) target(%arg13 : memref<128x128xf32, #tpu.memory_space<vmem>>) offsets(%dma_start3A_41 : memref<128xi32, #tpu.memory_space<vmem>>) semaphore(%arg17 : memref<!tpu.dma_semaphore, #tpu.memory_space<semaphore_mem>>)
      %dma_start3A_45 = arith.constant 0 : i32
      %dma_start3A_46 = arith.constant 0 : i32
      %dma_start3A_47 = tpu.memref_slice %arg11[%dma_start3A_45, %dma_start3A_46] : memref<2x128xi32, #tpu.memory_space<vmem>> -> memref<1x128xi32, #tpu.memory_space<vmem>>
      %dma_start3A_48 = tpu.memref_squeeze %dma_start3A_47 : memref<1x128xi32, #tpu.memory_space<vmem>> -> memref<128xi32, #tpu.memory_space<vmem>>
      %dma_start3A_49 = arith.constant 0 : i32
      %dma_start3A_50 = arith.constant 0 : i32
      %dma_start3A_51 = tpu.memref_slice %arg4[%dma_start3A_49, %dma_start3A_50] : memref<10000x16xf32, #tpu.memory_space<hbm>> -> memref<10000x16xf32, #tpu.memory_space<hbm>>
      tpu.enqueue_indirect_dma source(%dma_start3A_51 : memref<10000x16xf32, #tpu.memory_space<hbm>>) target(%arg14 : memref<128x16xf32, #tpu.memory_space<vmem>>) offsets(%dma_start3A_48 : memref<128xi32, #tpu.memory_space<vmem>>) semaphore(%arg18 : memref<!tpu.dma_semaphore, #tpu.memory_space<semaphore_mem>>)
      %dma_start3A_52 = arith.constant 1 : i32
      %dma_start3A_53 = arith.constant 0 : i32
      %dma_start3A_54 = tpu.memref_slice %arg11[%dma_start3A_52, %dma_start3A_53] : memref<2x128xi32, #tpu.memory_space<vmem>> -> memref<1x128xi32, #tpu.memory_space<vmem>>
      %dma_start3A_55 = tpu.memref_squeeze %dma_start3A_54 : memref<1x128xi32, #tpu.memory_space<vmem>> -> memref<128xi32, #tpu.memory_space<vmem>>
      %dma_start3A_56 = arith.constant 0 : i32
      %dma_start3A_57 = arith.constant 0 : i32
      %dma_start3A_58 = tpu.memref_slice %arg4[%dma_start3A_56, %dma_start3A_57] : memref<10000x16xf32, #tpu.memory_space<hbm>> -> memref<10000x16xf32, #tpu.memory_space<hbm>>
      tpu.enqueue_indirect_dma source(%dma_start3A_58 : memref<10000x16xf32, #tpu.memory_space<hbm>>) target(%arg15 : memref<128x16xf32, #tpu.memory_space<vmem>>) offsets(%dma_start3A_55 : memref<128xi32, #tpu.memory_space<vmem>>) semaphore(%arg19 : memref<!tpu.dma_semaphore, #tpu.memory_space<semaphore_mem>>)
      %dma_wait3A = arith.constant 0 : i32
      %dma_wait3A_59 = arith.constant 0 : i32
      %dma_wait3A_60 = tpu.memref_slice %arg11[%dma_wait3A, %dma_wait3A_59] : memref<2x128xi32, #tpu.memory_space<vmem>> -> memref<1x128xi32, #tpu.memory_space<vmem>>
      %dma_wait3A_61 = tpu.memref_squeeze %dma_wait3A_60 : memref<1x128xi32, #tpu.memory_space<vmem>> -> memref<128xi32, #tpu.memory_space<vmem>>
      %dma_wait3A_62 = arith.constant 0 : i32
      %dma_wait3A_63 = arith.constant 0 : i32
      %dma_wait3A_64 = tpu.memref_slice %arg2[%dma_wait3A_62, %dma_wait3A_63] : memref<10000x128xf32, #tpu.memory_space<hbm>> -> memref<10000x128xf32, #tpu.memory_space<hbm>>
      tpu.wait_indirect_dma semaphore(%arg16 : memref<!tpu.dma_semaphore, #tpu.memory_space<semaphore_mem>>) src(%dma_wait3A_64 : memref<10000x128xf32, #tpu.memory_space<hbm>>) dst(%arg12 : memref<128x128xf32, #tpu.memory_space<vmem>>)
      %dma_wait3A_65 = arith.constant 1 : i32
      %dma_wait3A_66 = arith.constant 0 : i32
      %dma_wait3A_67 = tpu.memref_slice %arg11[%dma_wait3A_65, %dma_wait3A_66] : memref<2x128xi32, #tpu.memory_space<vmem>> -> memref<1x128xi32, #tpu.memory_space<vmem>>
      %dma_wait3A_68 = tpu.memref_squeeze %dma_wait3A_67 : memref<1x128xi32, #tpu.memory_space<vmem>> -> memref<128xi32, #tpu.memory_space<vmem>>
      %dma_wait3A_69 = arith.constant 0 : i32
      %dma_wait3A_70 = arith.constant 0 : i32
      %dma_wait3A_71 = tpu.memref_slice %arg3[%dma_wait3A_69, %dma_wait3A_70] : memref<10000x128xf32, #tpu.memory_space<hbm>> -> memref<10000x128xf32, #tpu.memory_space<hbm>>
      tpu.wait_indirect_dma semaphore(%arg17 : memref<!tpu.dma_semaphore, #tpu.memory_space<semaphore_mem>>) src(%dma_wait3A_71 : memref<10000x128xf32, #tpu.memory_space<hbm>>) dst(%arg13 : memref<128x128xf32, #tpu.memory_space<vmem>>)
      %dma_wait3A_72 = arith.constant 0 : i32
      %dma_wait3A_73 = arith.constant 0 : i32
      %dma_wait3A_74 = tpu.memref_slice %arg11[%dma_wait3A_72, %dma_wait3A_73] : memref<2x128xi32, #tpu.memory_space<vmem>> -> memref<1x128xi32, #tpu.memory_space<vmem>>
      %dma_wait3A_75 = tpu.memref_squeeze %dma_wait3A_74 : memref<1x128xi32, #tpu.memory_space<vmem>> -> memref<128xi32, #tpu.memory_space<vmem>>
      %dma_wait3A_76 = arith.constant 0 : i32
      %dma_wait3A_77 = arith.constant 0 : i32
      %dma_wait3A_78 = tpu.memref_slice %arg4[%dma_wait3A_76, %dma_wait3A_77] : memref<10000x16xf32, #tpu.memory_space<hbm>> -> memref<10000x16xf32, #tpu.memory_space<hbm>>
      tpu.wait_indirect_dma semaphore(%arg18 : memref<!tpu.dma_semaphore, #tpu.memory_space<semaphore_mem>>) src(%dma_wait3A_78 : memref<10000x16xf32, #tpu.memory_space<hbm>>) dst(%arg14 : memref<128x16xf32, #tpu.memory_space<vmem>>)
      %dma_wait3A_79 = arith.constant 1 : i32
      %dma_wait3A_80 = arith.constant 0 : i32
      %dma_wait3A_81 = tpu.memref_slice %arg11[%dma_wait3A_79, %dma_wait3A_80] : memref<2x128xi32, #tpu.memory_space<vmem>> -> memref<1x128xi32, #tpu.memory_space<vmem>>
      %dma_wait3A_82 = tpu.memref_squeeze %dma_wait3A_81 : memref<1x128xi32, #tpu.memory_space<vmem>> -> memref<128xi32, #tpu.memory_space<vmem>>
      %dma_wait3A_83 = arith.constant 0 : i32
      %dma_wait3A_84 = arith.constant 0 : i32
      %dma_wait3A_85 = tpu.memref_slice %arg4[%dma_wait3A_83, %dma_wait3A_84] : memref<10000x16xf32, #tpu.memory_space<hbm>> -> memref<10000x16xf32, #tpu.memory_space<hbm>>
      tpu.wait_indirect_dma semaphore(%arg19 : memref<!tpu.dma_semaphore, #tpu.memory_space<semaphore_mem>>) src(%dma_wait3A_85 : memref<10000x16xf32, #tpu.memory_space<hbm>>) dst(%arg15 : memref<128x16xf32, #tpu.memory_space<vmem>>)
      "tpu.region"() ({
        %run_scoped3A_86 = tpu.sem_alloc : memref<!tpu.dma_semaphore, #tpu.memory_space<semaphore_mem>>
        %dma_start3A_87 = arith.constant 0 : i32
        %dma_start3A_88 = tpu.memref_slice %arg7[%mul3A_30, %dma_start3A_87] : memref<320000x128xf32, #tpu.memory_space<hbm>> -> memref<128x128xf32, #tpu.memory_space<hbm>>
        %dma_start3A_89 = arith.constant 0 : i32
        %dma_start3A_90 = tpu.memref_slice %arg7[%mul3A_30, %dma_start3A_89] : memref<320000x128xf32, #tpu.memory_space<hbm>> -> memref<128x128xf32, #tpu.memory_space<hbm>>
        tpu.enqueue_dma source(%arg12 : memref<128x128xf32, #tpu.memory_space<vmem>>) target(%dma_start3A_90 : memref<128x128xf32, #tpu.memory_space<hbm>>) target_semaphore(%run_scoped3A_86 : memref<!tpu.dma_semaphore, #tpu.memory_space<semaphore_mem>>)
        %dma_wait3A_91 = arith.constant 0 : i32
        %dma_wait3A_92 = tpu.memref_slice %arg7[%mul3A_30, %dma_wait3A_91] : memref<320000x128xf32, #tpu.memory_space<hbm>> -> memref<128x128xf32, #tpu.memory_space<hbm>>
        %dma_wait3A_93 = arith.constant 0 : i32
        %dma_wait3A_94 = tpu.memref_slice %arg7[%mul3A_30, %dma_wait3A_93] : memref<320000x128xf32, #tpu.memory_space<hbm>> -> memref<128x128xf32, #tpu.memory_space<hbm>>
        tpu.wait_dma2 semaphore(%run_scoped3A_86 : memref<!tpu.dma_semaphore, #tpu.memory_space<semaphore_mem>>) src(%arg12 : memref<128x128xf32, #tpu.memory_space<vmem>>) dst(%dma_wait3A_94 : memref<128x128xf32, #tpu.memory_space<hbm>>)
        tpu.yield
      }) : () -> ()
      "tpu.region"() ({
        %run_scoped3A_86 = tpu.sem_alloc : memref<!tpu.dma_semaphore, #tpu.memory_space<semaphore_mem>>
        %dma_start3A_87 = arith.constant 0 : i32
        %dma_start3A_88 = tpu.memref_slice %arg8[%mul3A_30, %dma_start3A_87] : memref<320000x128xf32, #tpu.memory_space<hbm>> -> memref<128x128xf32, #tpu.memory_space<hbm>>
        %dma_start3A_89 = arith.constant 0 : i32
        %dma_start3A_90 = tpu.memref_slice %arg8[%mul3A_30, %dma_start3A_89] : memref<320000x128xf32, #tpu.memory_space<hbm>> -> memref<128x128xf32, #tpu.memory_space<hbm>>
        tpu.enqueue_dma source(%arg13 : memref<128x128xf32, #tpu.memory_space<vmem>>) target(%dma_start3A_90 : memref<128x128xf32, #tpu.memory_space<hbm>>) target_semaphore(%run_scoped3A_86 : memref<!tpu.dma_semaphore, #tpu.memory_space<semaphore_mem>>)
        %dma_wait3A_91 = arith.constant 0 : i32
        %dma_wait3A_92 = tpu.memref_slice %arg8[%mul3A_30, %dma_wait3A_91] : memref<320000x128xf32, #tpu.memory_space<hbm>> -> memref<128x128xf32, #tpu.memory_space<hbm>>
        %dma_wait3A_93 = arith.constant 0 : i32
        %dma_wait3A_94 = tpu.memref_slice %arg8[%mul3A_30, %dma_wait3A_93] : memref<320000x128xf32, #tpu.memory_space<hbm>> -> memref<128x128xf32, #tpu.memory_space<hbm>>
        tpu.wait_dma2 semaphore(%run_scoped3A_86 : memref<!tpu.dma_semaphore, #tpu.memory_space<semaphore_mem>>) src(%arg13 : memref<128x128xf32, #tpu.memory_space<vmem>>) dst(%dma_wait3A_94 : memref<128x128xf32, #tpu.memory_space<hbm>>)
        tpu.yield
      }) : () -> ()
      "tpu.region"() ({
        %run_scoped3A_86 = tpu.sem_alloc : memref<!tpu.dma_semaphore, #tpu.memory_space<semaphore_mem>>
        %dma_start3A_87 = arith.constant 0 : i32
        %dma_start3A_88 = tpu.memref_slice %arg9[%mul3A_30, %dma_start3A_87] : memref<320000x16xf32, #tpu.memory_space<hbm>> -> memref<128x16xf32, #tpu.memory_space<hbm>>
        %dma_start3A_89 = arith.constant 0 : i32
        %dma_start3A_90 = tpu.memref_slice %arg9[%mul3A_30, %dma_start3A_89] : memref<320000x16xf32, #tpu.memory_space<hbm>> -> memref<128x16xf32, #tpu.memory_space<hbm>>
        tpu.enqueue_dma source(%arg14 : memref<128x16xf32, #tpu.memory_space<vmem>>) target(%dma_start3A_90 : memref<128x16xf32, #tpu.memory_space<hbm>>) target_semaphore(%run_scoped3A_86 : memref<!tpu.dma_semaphore, #tpu.memory_space<semaphore_mem>>)
        %dma_wait3A_91 = arith.constant 0 : i32
        %dma_wait3A_92 = tpu.memref_slice %arg9[%mul3A_30, %dma_wait3A_91] : memref<320000x16xf32, #tpu.memory_space<hbm>> -> memref<128x16xf32, #tpu.memory_space<hbm>>
        %dma_wait3A_93 = arith.constant 0 : i32
        %dma_wait3A_94 = tpu.memref_slice %arg9[%mul3A_30, %dma_wait3A_93] : memref<320000x16xf32, #tpu.memory_space<hbm>> -> memref<128x16xf32, #tpu.memory_space<hbm>>
        tpu.wait_dma2 semaphore(%run_scoped3A_86 : memref<!tpu.dma_semaphore, #tpu.memory_space<semaphore_mem>>) src(%arg14 : memref<128x16xf32, #tpu.memory_space<vmem>>) dst(%dma_wait3A_94 : memref<128x16xf32, #tpu.memory_space<hbm>>)
        tpu.yield
      }) : () -> ()
      "tpu.region"() ({
        %run_scoped3A_86 = tpu.sem_alloc : memref<!tpu.dma_semaphore, #tpu.memory_space<semaphore_mem>>
        %dma_start3A_87 = arith.constant 0 : i32
        %dma_start3A_88 = tpu.memref_slice %arg10[%mul3A_30, %dma_start3A_87] : memref<320000x16xf32, #tpu.memory_space<hbm>> -> memref<128x16xf32, #tpu.memory_space<hbm>>
        %dma_start3A_89 = arith.constant 0 : i32
        %dma_start3A_90 = tpu.memref_slice %arg10[%mul3A_30, %dma_start3A_89] : memref<320000x16xf32, #tpu.memory_space<hbm>> -> memref<128x16xf32, #tpu.memory_space<hbm>>
        tpu.enqueue_dma source(%arg15 : memref<128x16xf32, #tpu.memory_space<vmem>>) target(%dma_start3A_90 : memref<128x16xf32, #tpu.memory_space<hbm>>) target_semaphore(%run_scoped3A_86 : memref<!tpu.dma_semaphore, #tpu.memory_space<semaphore_mem>>)
        %dma_wait3A_91 = arith.constant 0 : i32
        %dma_wait3A_92 = tpu.memref_slice %arg10[%mul3A_30, %dma_wait3A_91] : memref<320000x16xf32, #tpu.memory_space<hbm>> -> memref<128x16xf32, #tpu.memory_space<hbm>>
        %dma_wait3A_93 = arith.constant 0 : i32
        %dma_wait3A_94 = tpu.memref_slice %arg10[%mul3A_30, %dma_wait3A_93] : memref<320000x16xf32, #tpu.memory_space<hbm>> -> memref<128x16xf32, #tpu.memory_space<hbm>>
        tpu.wait_dma2 semaphore(%run_scoped3A_86 : memref<!tpu.dma_semaphore, #tpu.memory_space<semaphore_mem>>) src(%arg15 : memref<128x16xf32, #tpu.memory_space<vmem>>) dst(%dma_wait3A_94 : memref<128x16xf32, #tpu.memory_space<hbm>>)
        tpu.yield
      }) : () -> ()
    }
    return
  }
}

module attributes {stable_mosaic.version = 14 : i64} {
  func.func @body(%arg0: i32, %arg1: memref<2000x128xf32, #tpu.memory_space<vmem>>, %arg2: memref<256x128xbf16, #tpu.memory_space<vmem>>, %arg3: memref<1x128xf32, #tpu.memory_space<vmem>>, %arg4: memref<2000x128xf32, #tpu.memory_space<vmem>>, %arg5: memref<2000x128xf32, #tpu.memory_space<vmem>>) attributes {dimension_semantics = [#tpu.dimension_semantics<arbitrary>], iteration_bounds = array<i64: 5>, scalar_prefetch = 0 : i64, scratch_operands = 0 : i64, tpu.core_type = #tpu.core_type<tc>, window_params = [{transform_indices = @transform_0, window_bounds = array<i64: 2000, 128>}, {pipeline_mode = #tpu.pipeline_mode<synchronous>, transform_indices = @transform_1, window_bounds = array<i64: 256, 128>}, {pipeline_mode = #tpu.pipeline_mode<synchronous>, transform_indices = @transform_2, window_bounds = array<i64: 1, 128>}, {transform_indices = @transform_3, window_bounds = array<i64: 2000, 128>}, {transform_indices = @transform_4, window_bounds = array<i64: 2000, 128>}]} {
    %get3A = arith.constant 0 : index
    %get3A_0 = arith.constant 0 : index
    %get3A_1 = vector.load %arg1[%get3A, %get3A_0] : memref<2000x128xf32, #tpu.memory_space<vmem>>, vector<2000x128xf32>
    %convert_element_type3A = arith.truncf %get3A_1 : vector<2000x128xf32> to vector<2000x128xbf16>
    %get3A_2 = arith.constant 0 : index
    %get3A_3 = arith.constant 0 : index
    %get3A_4 = vector.load %arg2[%get3A_2, %get3A_3] : memref<256x128xbf16, #tpu.memory_space<vmem>>, vector<128x128xbf16>
    %dot_general3A = arith.constant dense<0.000000e+00> : vector<2000x128xf32>
    %dot_general3A_5 = tpu.matmul %convert_element_type3A, %get3A_4, %dot_general3A {dimension_numbers = #tpu.dot_dimension_numbers<[1], [0], [0], [1], [0, 0, 1, 1], [], []>, transpose_lhs_hint = false} : vector<2000x128xbf16>, vector<128x128xbf16>, vector<2000x128xf32> -> vector<2000x128xf32>
    %get3A_6 = arith.constant 0 : index
    %get3A_7 = arith.constant 0 : index
    %get3A_8 = vector.load %arg3[%get3A_6, %get3A_7] : memref<1x128xf32, #tpu.memory_space<vmem>>, vector<1x128xf32>
    %add3A = vector.broadcast %get3A_8 : vector<1x128xf32> to vector<2000x128xf32>
    %add3A_9 = arith.addf %dot_general3A_5, %add3A : vector<2000x128xf32>
    %swap3A = arith.constant 0 : index
    %swap3A_10 = arith.constant 0 : index
    %swap3A_11 = vector.load %arg4[%swap3A, %swap3A_10] : memref<2000x128xf32, #tpu.memory_space<vmem>>, vector<2000x128xf32>
    tpu.vector_store %arg4[%swap3A, %swap3A_10], %add3A_9 {strides = array<i32>} : memref<2000x128xf32, #tpu.memory_space<vmem>>, vector<2000x128xf32>,
    %get3A_12 = arith.constant 128 : index
    %get3A_13 = arith.constant 0 : index
    %get3A_14 = vector.load %arg2[%get3A_12, %get3A_13] : memref<256x128xbf16, #tpu.memory_space<vmem>>, vector<128x128xbf16>
    %dot_general3A_15 = arith.constant dense<0.000000e+00> : vector<2000x128xf32>
    %dot_general3A_16 = tpu.matmul %convert_element_type3A, %get3A_14, %dot_general3A_15 {dimension_numbers = #tpu.dot_dimension_numbers<[1], [0], [0], [1], [0, 0, 1, 1], [], []>, transpose_lhs_hint = false} : vector<2000x128xbf16>, vector<128x128xbf16>, vector<2000x128xf32> -> vector<2000x128xf32>
    %swap3A_17 = arith.constant 0 : index
    %swap3A_18 = arith.constant 0 : index
    %swap3A_19 = vector.load %arg5[%swap3A_17, %swap3A_18] : memref<2000x128xf32, #tpu.memory_space<vmem>>, vector<2000x128xf32>
    tpu.vector_store %arg5[%swap3A_17, %swap3A_18], %dot_general3A_16 {strides = array<i32>} : memref<2000x128xf32, #tpu.memory_space<vmem>>, vector<2000x128xf32>,
    return
  }
  func.func @transform_0(%arg0: i32) -> (i32, i32) {
    %c0_i32 = arith.constant 0 : i32
    %c0_i32_0 = arith.constant 0 : i32
    return %arg0, %c0_i32 : i32, i32
  }
  func.func @transform_1(%arg0: i32) -> (i32, i32) {
    %c0_i32 = arith.constant 0 : i32
    %c0_i32_0 = arith.constant 0 : i32
    %c0_i32_1 = arith.constant 0 : i32
    return %c0_i32, %c0_i32_0 : i32, i32
  }
  func.func @transform_2(%arg0: i32) -> (i32, i32) {
    %c0_i32 = arith.constant 0 : i32
    %c0_i32_0 = arith.constant 0 : i32
    %c0_i32_1 = arith.constant 0 : i32
    return %c0_i32, %c0_i32_0 : i32, i32
  }
  func.func @transform_3(%arg0: i32) -> (i32, i32) {
    %c0_i32 = arith.constant 0 : i32
    %c0_i32_0 = arith.constant 0 : i32
    return %arg0, %c0_i32 : i32, i32
  }
  func.func @transform_4(%arg0: i32) -> (i32, i32) {
    %c0_i32 = arith.constant 0 : i32
    %c0_i32_0 = arith.constant 0 : i32
    return %arg0, %c0_i32 : i32, i32
  }
}

module attributes {stable_mosaic.version = 14 : i64} {
  func.func @body(%arg0: i32, %arg1: memref<2000x16xf32, #tpu.memory_space<vmem>>, %arg2: memref<2000x16xf32, #tpu.memory_space<vmem>>, %arg3: memref<16x96xbf16, #tpu.memory_space<vmem>>, %arg4: memref<32x48xbf16, #tpu.memory_space<vmem>>, %arg5: memref<96x32xbf16, #tpu.memory_space<vmem>>, %arg6: memref<8x128xf32, #tpu.memory_space<vmem>>, %arg7: memref<8x128xf32, #tpu.memory_space<vmem>>) attributes {dimension_semantics = [#tpu.dimension_semantics<arbitrary>], iteration_bounds = array<i64: 160>, scalar_prefetch = 0 : i64, scratch_operands = 1 : i64, tpu.core_type = #tpu.core_type<tc>, window_params = [{transform_indices = @transform_0, window_bounds = array<i64: 2000, 16>}, {transform_indices = @transform_1, window_bounds = array<i64: 2000, 16>}, {pipeline_mode = #tpu.pipeline_mode<synchronous>, transform_indices = @transform_2, window_bounds = array<i64: 16, 96>}, {pipeline_mode = #tpu.pipeline_mode<synchronous>, transform_indices = @transform_3, window_bounds = array<i64: 32, 48>}, {pipeline_mode = #tpu.pipeline_mode<synchronous>, transform_indices = @transform_4, window_bounds = array<i64: 96, 32>}, {pipeline_mode = #tpu.pipeline_mode<synchronous>, transform_indices = @transform_5, window_bounds = array<i64: 8, 128>}]} {
    %get3A = arith.constant 0 : index
    %get3A_0 = arith.constant 0 : index
    %get3A_1 = vector.load %arg1[%get3A, %get3A_0] : memref<2000x16xf32, #tpu.memory_space<vmem>>, vector<2000x16xf32>
    %get3A_2 = arith.constant 0 : index
    %get3A_3 = arith.constant 0 : index
    %get3A_4 = vector.load %arg2[%get3A_2, %get3A_3] : memref<2000x16xf32, #tpu.memory_space<vmem>>, vector<2000x16xf32>
    %sub3A = arith.subf %get3A_1, %get3A_4 : vector<2000x16xf32>
    %convert_element_type3A = arith.truncf %sub3A : vector<2000x16xf32> to vector<2000x16xbf16>
    %get3A_5 = arith.constant 0 : index
    %get3A_6 = arith.constant 0 : index
    %get3A_7 = vector.load %arg3[%get3A_5, %get3A_6] : memref<16x96xbf16, #tpu.memory_space<vmem>>, vector<16x96xbf16>
    %dot_general3A = arith.constant dense<0.000000e+00> : vector<2000x96xf32>
    %dot_general3A_8 = tpu.matmul %convert_element_type3A, %get3A_7, %dot_general3A {dimension_numbers = #tpu.dot_dimension_numbers<[1], [0], [0], [1], [0, 0, 1, 1], [], []>, transpose_lhs_hint = false} : vector<2000x16xbf16>, vector<16x96xbf16>, vector<2000x96xf32> -> vector<2000x96xf32>
    %slice3A = vector.extract_strided_slice %dot_general3A_8 {offsets = [0, 0], sizes = [2000, 48], strides = [1, 1]} : vector<2000x96xf32> to vector<2000x48xf32>
    %slice3A_9 = vector.extract_strided_slice %dot_general3A_8 {offsets = [0, 48], sizes = [2000, 48], strides = [1, 1]} : vector<2000x96xf32> to vector<2000x48xf32>
    %mul3A = arith.mulf %slice3A, %slice3A_9 : vector<2000x48xf32>
    %concatenate3A = tpu.concatenate %get3A_1, %get3A_4 in 1 : vector<2000x16xf32>, vector<2000x16xf32> -> vector<2000x32xf32>
    %convert_element_type3A_10 = arith.truncf %concatenate3A : vector<2000x32xf32> to vector<2000x32xbf16>
    %get3A_11 = arith.constant 0 : index
    %get3A_12 = arith.constant 0 : index
    %get3A_13 = vector.load %arg4[%get3A_11, %get3A_12] : memref<32x48xbf16, #tpu.memory_space<vmem>>, vector<32x48xbf16>
    %dot_general3A_14 = arith.constant dense<0.000000e+00> : vector<2000x48xf32>
    %dot_general3A_15 = tpu.matmul %convert_element_type3A_10, %get3A_13, %dot_general3A_14 {dimension_numbers = #tpu.dot_dimension_numbers<[1], [0], [0], [1], [0, 0, 1, 1], [], []>, transpose_lhs_hint = false} : vector<2000x32xbf16>, vector<32x48xbf16>, vector<2000x48xf32> -> vector<2000x48xf32>
    %mul3A_16 = arith.mulf %dot_general3A_15, %dot_general3A_15 : vector<2000x48xf32>
    %concatenate3A_17 = tpu.concatenate %mul3A, %mul3A_16 in 1 : vector<2000x48xf32>, vector<2000x48xf32> -> vector<2000x96xf32>
    %convert_element_type3A_18 = arith.truncf %concatenate3A_17 : vector<2000x96xf32> to vector<2000x96xbf16>
    %get3A_19 = arith.constant 0 : index
    %get3A_20 = arith.constant 0 : index
    %get3A_21 = vector.load %arg5[%get3A_19, %get3A_20] : memref<96x32xbf16, #tpu.memory_space<vmem>>, vector<96x32xbf16>
    %dot_general3A_22 = arith.constant dense<0.000000e+00> : vector<2000x32xf32>
    %dot_general3A_23 = tpu.matmul %convert_element_type3A_18, %get3A_21, %dot_general3A_22 {dimension_numbers = #tpu.dot_dimension_numbers<[1], [0], [0], [1], [0, 0, 1, 1], [], []>, transpose_lhs_hint = false} : vector<2000x96xbf16>, vector<96x32xbf16>, vector<2000x32xf32> -> vector<2000x32xf32>
    %slice3A_24 = vector.extract_strided_slice %dot_general3A_23 {offsets = [0, 0], sizes = [2000, 16], strides = [1, 1]} : vector<2000x32xf32> to vector<2000x16xf32>
    %slice3A_25 = vector.extract_strided_slice %dot_general3A_23 {offsets = [0, 16], sizes = [2000, 16], strides = [1, 1]} : vector<2000x32xf32> to vector<2000x16xf32>
    %max3A = arith.constant 1.000000e-24 : f32
    %max3A_26 = vector.broadcast %max3A : f32 to vector<2000x16xf32>
    %max3A_27 = arith.maximumf %slice3A_25, %max3A_26 : vector<2000x16xf32>
    %eq3A = arith.constant 0 : i32
    %eq3A_28 = arith.cmpi eq, %arg0, %eq3A : i32
    %convert_element_type3A_29 = arith.extui %eq3A_28 : i1 to i32
    %cond3A = arith.constant 0 : i32
    %cond3A_30 = arith.cmpi ne, %convert_element_type3A_29, %cond3A : i32
    scf.if %cond3A_30 {
      %broadcast_in_dim3A_53 = arith.constant 0.000000e+00 : f32
      %broadcast_in_dim3A_54 = vector.broadcast %broadcast_in_dim3A_53 : f32 to vector<8x128xf32>
      %swap3A_55 = arith.constant 0 : index
      %swap3A_56 = arith.constant 0 : index
      %swap3A_57 = vector.load %arg7[%swap3A_55, %swap3A_56] : memref<8x128xf32, #tpu.memory_space<vmem>>, vector<8x128xf32>
      tpu.vector_store %arg7[%swap3A_55, %swap3A_56], %broadcast_in_dim3A_54 {strides = array<i32>} : memref<8x128xf32, #tpu.memory_space<vmem>>, vector<8x128xf32>,
    } else {
    }
    %get3A_31 = arith.constant 0 : index
    %get3A_32 = arith.constant 0 : index
    %get3A_33 = vector.load %arg7[%get3A_31, %get3A_32] : memref<8x128xf32, #tpu.memory_space<vmem>>, vector<1x16xf32>
    %mul3A_34 = arith.mulf %slice3A_24, %slice3A_24 : vector<2000x16xf32>
    %reduce_sum3A = arith.constant dense<0.000000e+00> : vector<16xf32>
    %reduce_sum3A_35 = vector.multi_reduction <add>, %mul3A_34, %reduce_sum3A [0] : vector<2000x16xf32> to vector<16xf32>
    %broadcast_in_dim3A = vector.shape_cast %reduce_sum3A_35 : vector<16xf32> to vector<1x16xf32>
    %add3A = arith.addf %get3A_33, %broadcast_in_dim3A : vector<1x16xf32>
    %swap3A = arith.constant 0 : index
    %swap3A_36 = arith.constant 0 : index
    %swap3A_37 = vector.load %arg7[%swap3A, %swap3A_36] : memref<8x128xf32, #tpu.memory_space<vmem>>, vector<1x16xf32>
    tpu.vector_store %arg7[%swap3A, %swap3A_36], %add3A {strides = array<i32>} : memref<8x128xf32, #tpu.memory_space<vmem>>, vector<1x16xf32>,
    %get3A_38 = arith.constant 1 : index
    %get3A_39 = arith.constant 0 : index
    %get3A_40 = vector.load %arg7[%get3A_38, %get3A_39] : memref<8x128xf32, #tpu.memory_space<vmem>>, vector<1x16xf32>
    %reduce_sum3A_41 = arith.constant dense<0.000000e+00> : vector<16xf32>
    %reduce_sum3A_42 = vector.multi_reduction <add>, %max3A_27, %reduce_sum3A_41 [0] : vector<2000x16xf32> to vector<16xf32>
    %broadcast_in_dim3A_43 = vector.shape_cast %reduce_sum3A_42 : vector<16xf32> to vector<1x16xf32>
    %add3A_44 = arith.addf %get3A_40, %broadcast_in_dim3A_43 : vector<1x16xf32>
    %swap3A_45 = arith.constant 1 : index
    %swap3A_46 = arith.constant 0 : index
    %swap3A_47 = vector.load %arg7[%swap3A_45, %swap3A_46] : memref<8x128xf32, #tpu.memory_space<vmem>>, vector<1x16xf32>
    tpu.vector_store %arg7[%swap3A_45, %swap3A_46], %add3A_44 {strides = array<i32>} : memref<8x128xf32, #tpu.memory_space<vmem>>, vector<1x16xf32>,
    %eq3A_48 = arith.constant 159 : i32
    %eq3A_49 = arith.cmpi eq, %arg0, %eq3A_48 : i32
    %convert_element_type3A_50 = arith.extui %eq3A_49 : i1 to i32
    %cond3A_51 = arith.constant 0 : i32
    %cond3A_52 = arith.cmpi ne, %convert_element_type3A_50, %cond3A_51 : i32
    scf.if %cond3A_52 {
      %get3A_53 = arith.constant 0 : index
      %get3A_54 = arith.constant 0 : index
      %get3A_55 = vector.load %arg7[%get3A_53, %get3A_54] : memref<8x128xf32, #tpu.memory_space<vmem>>, vector<8x128xf32>
      %swap3A_56 = arith.constant 0 : index
      %swap3A_57 = arith.constant 0 : index
      %swap3A_58 = vector.load %arg6[%swap3A_56, %swap3A_57] : memref<8x128xf32, #tpu.memory_space<vmem>>, vector<8x128xf32>
      tpu.vector_store %arg6[%swap3A_56, %swap3A_57], %get3A_55 {strides = array<i32>} : memref<8x128xf32, #tpu.memory_space<vmem>>, vector<8x128xf32>,
    } else {
    }
    return
  }
  func.func @transform_0(%arg0: i32) -> (i32, i32) {
    %c0_i32 = arith.constant 0 : i32
    %c0_i32_0 = arith.constant 0 : i32
    return %arg0, %c0_i32 : i32, i32
  }
  func.func @transform_1(%arg0: i32) -> (i32, i32) {
    %c0_i32 = arith.constant 0 : i32
    %c0_i32_0 = arith.constant 0 : i32
    return %arg0, %c0_i32 : i32, i32
  }
  func.func @transform_2(%arg0: i32) -> (i32, i32) {
    %c0_i32 = arith.constant 0 : i32
    %c0_i32_0 = arith.constant 0 : i32
    %c0_i32_1 = arith.constant 0 : i32
    return %c0_i32, %c0_i32_0 : i32, i32
  }
  func.func @transform_3(%arg0: i32) -> (i32, i32) {
    %c0_i32 = arith.constant 0 : i32
    %c0_i32_0 = arith.constant 0 : i32
    %c0_i32_1 = arith.constant 0 : i32
    return %c0_i32, %c0_i32_0 : i32, i32
  }
  func.func @transform_4(%arg0: i32) -> (i32, i32) {
    %c0_i32 = arith.constant 0 : i32
    %c0_i32_0 = arith.constant 0 : i32
    %c0_i32_1 = arith.constant 0 : i32
    return %c0_i32, %c0_i32_0 : i32, i32
  }
  func.func @transform_5(%arg0: i32) -> (i32, i32) {
    %c0_i32 = arith.constant 0 : i32
    %c0_i32_0 = arith.constant 0 : i32
    %c0_i32_1 = arith.constant 0 : i32
    return %c0_i32, %c0_i32_0 : i32, i32
  }
}

module attributes {stable_mosaic.version = 14 : i64} {
  func.func @body(%arg0: i32, %arg1: memref<2000x128xf32, #tpu.memory_space<vmem>>, %arg2: memref<2000x128xf32, #tpu.memory_space<vmem>>, %arg3: memref<2000x16xf32, #tpu.memory_space<vmem>>, %arg4: memref<2000x16xf32, #tpu.memory_space<vmem>>, %arg5: memref<2000x16xf32, #tpu.memory_space<vmem>>, %arg6: memref<8x128xf32, #tpu.memory_space<vmem>>, %arg7: memref<16x96xbf16, #tpu.memory_space<vmem>>, %arg8: memref<32x48xbf16, #tpu.memory_space<vmem>>, %arg9: memref<96x32xbf16, #tpu.memory_space<vmem>>, %arg10: memref<48x128xbf16, #tpu.memory_space<vmem>>, %arg11: memref<128x128xbf16, #tpu.memory_space<vmem>>, %arg12: memref<1x128xf32, #tpu.memory_space<vmem>>, %arg13: memref<128x128xbf16, #tpu.memory_space<vmem>>, %arg14: memref<1x128xf32, #tpu.memory_space<vmem>>, %arg15: memref<128x16xbf16, #tpu.memory_space<vmem>>, %arg16: memref<2000x128xf32, #tpu.memory_space<vmem>>, %arg17: memref<2000x16xf32, #tpu.memory_space<vmem>>) attributes {dimension_semantics = [#tpu.dimension_semantics<arbitrary>], iteration_bounds = array<i64: 160>, scalar_prefetch = 0 : i64, scratch_operands = 0 : i64, tpu.core_type = #tpu.core_type<tc>, window_params = [{transform_indices = @transform_0, window_bounds = array<i64: 2000, 128>}, {transform_indices = @transform_1, window_bounds = array<i64: 2000, 128>}, {transform_indices = @transform_2, window_bounds = array<i64: 2000, 16>}, {transform_indices = @transform_3, window_bounds = array<i64: 2000, 16>}, {transform_indices = @transform_4, window_bounds = array<i64: 2000, 16>}, {pipeline_mode = #tpu.pipeline_mode<synchronous>, transform_indices = @transform_5, window_bounds = array<i64: 8, 128>}, {pipeline_mode = #tpu.pipeline_mode<synchronous>, transform_indices = @transform_6, window_bounds = array<i64: 16, 96>}, {pipeline_mode = #tpu.pipeline_mode<synchronous>, transform_indices = @transform_7, window_bounds = array<i64: 32, 48>}, {pipeline_mode = #tpu.pipeline_mode<synchronous>, transform_indices = @transform_8, window_bounds = array<i64: 96, 32>}, {pipeline_mode = #tpu.pipeline_mode<synchronous>, transform_indices = @transform_9, window_bounds = array<i64: 48, 128>}, {pipeline_mode = #tpu.pipeline_mode<synchronous>, transform_indices = @transform_10, window_bounds = array<i64: 128, 128>}, {pipeline_mode = #tpu.pipeline_mode<synchronous>, transform_indices = @transform_11, window_bounds = array<i64: 1, 128>}, {pipeline_mode = #tpu.pipeline_mode<synchronous>, transform_indices = @transform_12, window_bounds = array<i64: 128, 128>}, {pipeline_mode = #tpu.pipeline_mode<synchronous>, transform_indices = @transform_13, window_bounds = array<i64: 1, 128>}, {pipeline_mode = #tpu.pipeline_mode<synchronous>, transform_indices = @transform_14, window_bounds = array<i64: 128, 16>}, {transform_indices = @transform_15, window_bounds = array<i64: 2000, 128>}, {transform_indices = @transform_16, window_bounds = array<i64: 2000, 16>}]} {
    %get3A = arith.constant 0 : index
    %get3A_0 = arith.constant 0 : index
    %get3A_1 = vector.load %arg3[%get3A, %get3A_0] : memref<2000x16xf32, #tpu.memory_space<vmem>>, vector<2000x16xf32>
    %get3A_2 = arith.constant 0 : index
    %get3A_3 = arith.constant 0 : index
    %get3A_4 = vector.load %arg4[%get3A_2, %get3A_3] : memref<2000x16xf32, #tpu.memory_space<vmem>>, vector<2000x16xf32>
    %sub3A = arith.subf %get3A_1, %get3A_4 : vector<2000x16xf32>
    %convert_element_type3A = arith.truncf %sub3A : vector<2000x16xf32> to vector<2000x16xbf16>
    %get3A_5 = arith.constant 0 : index
    %get3A_6 = arith.constant 0 : index
    %get3A_7 = vector.load %arg7[%get3A_5, %get3A_6] : memref<16x96xbf16, #tpu.memory_space<vmem>>, vector<16x96xbf16>
    %dot_general3A = arith.constant dense<0.000000e+00> : vector<2000x96xf32>
    %dot_general3A_8 = tpu.matmul %convert_element_type3A, %get3A_7, %dot_general3A {dimension_numbers = #tpu.dot_dimension_numbers<[1], [0], [0], [1], [0, 0, 1, 1], [], []>, transpose_lhs_hint = false} : vector<2000x16xbf16>, vector<16x96xbf16>, vector<2000x96xf32> -> vector<2000x96xf32>
    %slice3A = vector.extract_strided_slice %dot_general3A_8 {offsets = [0, 0], sizes = [2000, 48], strides = [1, 1]} : vector<2000x96xf32> to vector<2000x48xf32>
    %slice3A_9 = vector.extract_strided_slice %dot_general3A_8 {offsets = [0, 48], sizes = [2000, 48], strides = [1, 1]} : vector<2000x96xf32> to vector<2000x48xf32>
    %mul3A = arith.mulf %slice3A, %slice3A_9 : vector<2000x48xf32>
    %concatenate3A = tpu.concatenate %get3A_1, %get3A_4 in 1 : vector<2000x16xf32>, vector<2000x16xf32> -> vector<2000x32xf32>
    %convert_element_type3A_10 = arith.truncf %concatenate3A : vector<2000x32xf32> to vector<2000x32xbf16>
    %get3A_11 = arith.constant 0 : index
    %get3A_12 = arith.constant 0 : index
    %get3A_13 = vector.load %arg8[%get3A_11, %get3A_12] : memref<32x48xbf16, #tpu.memory_space<vmem>>, vector<32x48xbf16>
    %dot_general3A_14 = arith.constant dense<0.000000e+00> : vector<2000x48xf32>
    %dot_general3A_15 = tpu.matmul %convert_element_type3A_10, %get3A_13, %dot_general3A_14 {dimension_numbers = #tpu.dot_dimension_numbers<[1], [0], [0], [1], [0, 0, 1, 1], [], []>, transpose_lhs_hint = false} : vector<2000x32xbf16>, vector<32x48xbf16>, vector<2000x48xf32> -> vector<2000x48xf32>
    %mul3A_16 = arith.mulf %dot_general3A_15, %dot_general3A_15 : vector<2000x48xf32>
    %concatenate3A_17 = tpu.concatenate %mul3A, %mul3A_16 in 1 : vector<2000x48xf32>, vector<2000x48xf32> -> vector<2000x96xf32>
    %convert_element_type3A_18 = arith.truncf %concatenate3A_17 : vector<2000x96xf32> to vector<2000x96xbf16>
    %get3A_19 = arith.constant 0 : index
    %get3A_20 = arith.constant 0 : index
    %get3A_21 = vector.load %arg9[%get3A_19, %get3A_20] : memref<96x32xbf16, #tpu.memory_space<vmem>>, vector<96x32xbf16>
    %dot_general3A_22 = arith.constant dense<0.000000e+00> : vector<2000x32xf32>
    %dot_general3A_23 = tpu.matmul %convert_element_type3A_18, %get3A_21, %dot_general3A_22 {dimension_numbers = #tpu.dot_dimension_numbers<[1], [0], [0], [1], [0, 0, 1, 1], [], []>, transpose_lhs_hint = false} : vector<2000x96xbf16>, vector<96x32xbf16>, vector<2000x32xf32> -> vector<2000x32xf32>
    %slice3A_24 = vector.extract_strided_slice %dot_general3A_23 {offsets = [0, 0], sizes = [2000, 16], strides = [1, 1]} : vector<2000x32xf32> to vector<2000x16xf32>
    %slice3A_25 = vector.extract_strided_slice %dot_general3A_23 {offsets = [0, 16], sizes = [2000, 16], strides = [1, 1]} : vector<2000x32xf32> to vector<2000x16xf32>
    %max3A = arith.constant 1.000000e-24 : f32
    %max3A_26 = vector.broadcast %max3A : f32 to vector<2000x16xf32>
    %max3A_27 = arith.maximumf %slice3A_25, %max3A_26 : vector<2000x16xf32>
    %get3A_28 = arith.constant 0 : index
    %get3A_29 = arith.constant 0 : index
    %get3A_30 = vector.load %arg6[%get3A_28, %get3A_29] : memref<8x128xf32, #tpu.memory_space<vmem>>, vector<1x16xf32>
    %sqrt3A = math.sqrt %get3A_30 : vector<1x16xf32>
    %max3A_31 = arith.constant 9.99999996E-13 : f32
    %max3A_32 = vector.broadcast %max3A_31 : f32 to vector<1x16xf32>
    %max3A_33 = arith.maximumf %sqrt3A, %max3A_32 : vector<1x16xf32>
    %div3A = arith.constant 1.000000e+00 : f32
    %div3A_34 = vector.broadcast %div3A : f32 to vector<1x16xf32>
    %div3A_35 = arith.divf %div3A_34, %max3A_33 : vector<1x16xf32>
    %get3A_36 = arith.constant 1 : index
    %get3A_37 = arith.constant 0 : index
    %get3A_38 = vector.load %arg6[%get3A_36, %get3A_37] : memref<8x128xf32, #tpu.memory_space<vmem>>, vector<1x16xf32>
    %sqrt3A_39 = math.sqrt %get3A_38 : vector<1x16xf32>
    %max3A_40 = arith.constant 9.99999996E-13 : f32
    %max3A_41 = vector.broadcast %max3A_40 : f32 to vector<1x16xf32>
    %max3A_42 = arith.maximumf %sqrt3A_39, %max3A_41 : vector<1x16xf32>
    %div3A_43 = arith.constant 1.000000e+00 : f32
    %div3A_44 = vector.broadcast %div3A_43 : f32 to vector<1x16xf32>
    %div3A_45 = arith.divf %div3A_44, %max3A_42 : vector<1x16xf32>
    %mul3A_46 = vector.broadcast %div3A_35 : vector<1x16xf32> to vector<2000x16xf32>
    %mul3A_47 = arith.mulf %slice3A_24, %mul3A_46 : vector<2000x16xf32>
    %sqrt3A_48 = math.sqrt %max3A_27 : vector<2000x16xf32>
    %mul3A_49 = vector.broadcast %div3A_45 : vector<1x16xf32> to vector<2000x16xf32>
    %mul3A_50 = arith.mulf %sqrt3A_48, %mul3A_49 : vector<2000x16xf32>
    %get3A_51 = arith.constant 0 : index
    %get3A_52 = arith.constant 0 : index
    %get3A_53 = vector.load %arg5[%get3A_51, %get3A_52] : memref<2000x16xf32, #tpu.memory_space<vmem>>, vector<2000x16xf32>
    %concatenate3A_54 = tpu.concatenate %mul3A_47, %mul3A_50, %get3A_53 in 1 : vector<2000x16xf32>, vector<2000x16xf32>, vector<2000x16xf32> -> vector<2000x48xf32>
    %convert_element_type3A_55 = arith.truncf %concatenate3A_54 : vector<2000x48xf32> to vector<2000x48xbf16>
    %get3A_56 = arith.constant 0 : index
    %get3A_57 = arith.constant 0 : index
    %get3A_58 = vector.load %arg1[%get3A_56, %get3A_57] : memref<2000x128xf32, #tpu.memory_space<vmem>>, vector<2000x128xf32>
    %get3A_59 = arith.constant 0 : index
    %get3A_60 = arith.constant 0 : index
    %get3A_61 = vector.load %arg2[%get3A_59, %get3A_60] : memref<2000x128xf32, #tpu.memory_space<vmem>>, vector<2000x128xf32>
    %add3A = arith.addf %get3A_58, %get3A_61 : vector<2000x128xf32>
    %get3A_62 = arith.constant 0 : index
    %get3A_63 = arith.constant 0 : index
    %get3A_64 = vector.load %arg10[%get3A_62, %get3A_63] : memref<48x128xbf16, #tpu.memory_space<vmem>>, vector<48x128xbf16>
    %dot_general3A_65 = arith.constant dense<0.000000e+00> : vector<2000x128xf32>
    %dot_general3A_66 = tpu.matmul %convert_element_type3A_55, %get3A_64, %dot_general3A_65 {dimension_numbers = #tpu.dot_dimension_numbers<[1], [0], [0], [1], [0, 0, 1, 1], [], []>, transpose_lhs_hint = false} : vector<2000x48xbf16>, vector<48x128xbf16>, vector<2000x128xf32> -> vector<2000x128xf32>
    %add3A_67 = arith.addf %add3A, %dot_general3A_66 : vector<2000x128xf32>
    %logistic3A = arith.negf %add3A_67 : vector<2000x128xf32>
    %logistic3A_68 = math.exp %logistic3A : vector<2000x128xf32>
    %logistic3A_69 = arith.constant 1.000000e+00 : f32
    %logistic3A_70 = vector.broadcast %logistic3A_69 : f32 to vector<2000x128xf32>
    %logistic3A_71 = arith.addf %logistic3A_70, %logistic3A_68 : vector<2000x128xf32>
    %logistic3A_72 = arith.divf %logistic3A_70, %logistic3A_71 : vector<2000x128xf32>
    %mul3A_73 = arith.mulf %add3A_67, %logistic3A_72 : vector<2000x128xf32>
    %convert_element_type3A_74 = arith.truncf %mul3A_73 : vector<2000x128xf32> to vector<2000x128xbf16>
    %get3A_75 = arith.constant 0 : index
    %get3A_76 = arith.constant 0 : index
    %get3A_77 = vector.load %arg11[%get3A_75, %get3A_76] : memref<128x128xbf16, #tpu.memory_space<vmem>>, vector<128x128xbf16>
    %dot_general3A_78 = arith.constant dense<0.000000e+00> : vector<2000x128xf32>
    %dot_general3A_79 = tpu.matmul %convert_element_type3A_74, %get3A_77, %dot_general3A_78 {dimension_numbers = #tpu.dot_dimension_numbers<[1], [0], [0], [1], [0, 0, 1, 1], [], []>, transpose_lhs_hint = false} : vector<2000x128xbf16>, vector<128x128xbf16>, vector<2000x128xf32> -> vector<2000x128xf32>
    %get3A_80 = arith.constant 0 : index
    %get3A_81 = arith.constant 0 : index
    %get3A_82 = vector.load %arg12[%get3A_80, %get3A_81] : memref<1x128xf32, #tpu.memory_space<vmem>>, vector<1x128xf32>
    %add3A_83 = vector.broadcast %get3A_82 : vector<1x128xf32> to vector<2000x128xf32>
    %add3A_84 = arith.addf %dot_general3A_79, %add3A_83 : vector<2000x128xf32>
    %logistic3A_85 = arith.negf %add3A_84 : vector<2000x128xf32>
    %logistic3A_86 = math.exp %logistic3A_85 : vector<2000x128xf32>
    %logistic3A_87 = arith.constant 1.000000e+00 : f32
    %logistic3A_88 = vector.broadcast %logistic3A_87 : f32 to vector<2000x128xf32>
    %logistic3A_89 = arith.addf %logistic3A_88, %logistic3A_86 : vector<2000x128xf32>
    %logistic3A_90 = arith.divf %logistic3A_88, %logistic3A_89 : vector<2000x128xf32>
    %mul3A_91 = arith.mulf %add3A_84, %logistic3A_90 : vector<2000x128xf32>
    %swap3A = arith.constant 0 : index
    %swap3A_92 = arith.constant 0 : index
    %swap3A_93 = vector.load %arg16[%swap3A, %swap3A_92] : memref<2000x128xf32, #tpu.memory_space<vmem>>, vector<2000x128xf32>
    tpu.vector_store %arg16[%swap3A, %swap3A_92], %mul3A_91 {strides = array<i32>} : memref<2000x128xf32, #tpu.memory_space<vmem>>, vector<2000x128xf32>,
    %convert_element_type3A_94 = arith.truncf %mul3A_91 : vector<2000x128xf32> to vector<2000x128xbf16>
    %get3A_95 = arith.constant 0 : index
    %get3A_96 = arith.constant 0 : index
    %get3A_97 = vector.load %arg13[%get3A_95, %get3A_96] : memref<128x128xbf16, #tpu.memory_space<vmem>>, vector<128x128xbf16>
    %dot_general3A_98 = arith.constant dense<0.000000e+00> : vector<2000x128xf32>
    %dot_general3A_99 = tpu.matmul %convert_element_type3A_94, %get3A_97, %dot_general3A_98 {dimension_numbers = #tpu.dot_dimension_numbers<[1], [0], [0], [1], [0, 0, 1, 1], [], []>, transpose_lhs_hint = false} : vector<2000x128xbf16>, vector<128x128xbf16>, vector<2000x128xf32> -> vector<2000x128xf32>
    %get3A_100 = arith.constant 0 : index
    %get3A_101 = arith.constant 0 : index
    %get3A_102 = vector.load %arg14[%get3A_100, %get3A_101] : memref<1x128xf32, #tpu.memory_space<vmem>>, vector<1x128xf32>
    %add3A_103 = vector.broadcast %get3A_102 : vector<1x128xf32> to vector<2000x128xf32>
    %add3A_104 = arith.addf %dot_general3A_99, %add3A_103 : vector<2000x128xf32>
    %logistic3A_105 = arith.negf %add3A_104 : vector<2000x128xf32>
    %logistic3A_106 = math.exp %logistic3A_105 : vector<2000x128xf32>
    %logistic3A_107 = arith.constant 1.000000e+00 : f32
    %logistic3A_108 = vector.broadcast %logistic3A_107 : f32 to vector<2000x128xf32>
    %logistic3A_109 = arith.addf %logistic3A_108, %logistic3A_106 : vector<2000x128xf32>
    %logistic3A_110 = arith.divf %logistic3A_108, %logistic3A_109 : vector<2000x128xf32>
    %mul3A_111 = arith.mulf %add3A_104, %logistic3A_110 : vector<2000x128xf32>
    %convert_element_type3A_112 = arith.truncf %mul3A_111 : vector<2000x128xf32> to vector<2000x128xbf16>
    %get3A_113 = arith.constant 0 : index
    %get3A_114 = arith.constant 0 : index
    %get3A_115 = vector.load %arg15[%get3A_113, %get3A_114] : memref<128x16xbf16, #tpu.memory_space<vmem>>, vector<128x16xbf16>
    %dot_general3A_116 = arith.constant dense<0.000000e+00> : vector<2000x16xf32>
    %dot_general3A_117 = tpu.matmul %convert_element_type3A_112, %get3A_115, %dot_general3A_116 {dimension_numbers = #tpu.dot_dimension_numbers<[1], [0], [0], [1], [0, 0, 1, 1], [], []>, transpose_lhs_hint = false} : vector<2000x128xbf16>, vector<128x16xbf16>, vector<2000x16xf32> -> vector<2000x16xf32>
    %iota3A = tpu.iota {dimensions = array<i32: 1>} : vector<1x16xi32>
    %eq3A = arith.constant 12 : i32
    %eq3A_118 = vector.broadcast %eq3A : i32 to vector<1x16xi32>
    %eq3A_119 = arith.cmpi eq, %iota3A, %eq3A_118 : vector<1x16xi32>
    %jit3A = arith.constant 1.000000e+00 : f32
    %jit3A_120 = arith.constant 0.000000e+00 : f32
    %broadcast_in_dim3A = vector.broadcast %jit3A : f32 to vector<1x16xf32>
    %broadcast_in_dim3A_121 = vector.broadcast %jit3A_120 : f32 to vector<1x16xf32>
    %select_n3A = arith.select %eq3A_119, %broadcast_in_dim3A, %broadcast_in_dim3A_121 : vector<1x16xi1>, vector<1x16xf32>
    %mul3A_122 = arith.mulf %sub3A, %dot_general3A_117 : vector<2000x16xf32>
    %add3A_123 = vector.broadcast %select_n3A : vector<1x16xf32> to vector<2000x16xf32>
    %add3A_124 = arith.addf %mul3A_122, %add3A_123 : vector<2000x16xf32>
    %swap3A_125 = arith.constant 0 : index
    %swap3A_126 = arith.constant 0 : index
    %swap3A_127 = vector.load %arg17[%swap3A_125, %swap3A_126] : memref<2000x16xf32, #tpu.memory_space<vmem>>, vector<2000x16xf32>
    tpu.vector_store %arg17[%swap3A_125, %swap3A_126], %add3A_124 {strides = array<i32>} : memref<2000x16xf32, #tpu.memory_space<vmem>>, vector<2000x16xf32>,
    return
  }
  func.func @transform_0(%arg0: i32) -> (i32, i32) {
    %c0_i32 = arith.constant 0 : i32
    %c0_i32_0 = arith.constant 0 : i32
    return %arg0, %c0_i32 : i32, i32
  }
  func.func @transform_1(%arg0: i32) -> (i32, i32) {
    %c0_i32 = arith.constant 0 : i32
    %c0_i32_0 = arith.constant 0 : i32
    return %arg0, %c0_i32 : i32, i32
  }
  func.func @transform_2(%arg0: i32) -> (i32, i32) {
    %c0_i32 = arith.constant 0 : i32
    %c0_i32_0 = arith.constant 0 : i32
    return %arg0, %c0_i32 : i32, i32
  }
  func.func @transform_3(%arg0: i32) -> (i32, i32) {
    %c0_i32 = arith.constant 0 : i32
    %c0_i32_0 = arith.constant 0 : i32
    return %arg0, %c0_i32 : i32, i32
  }
  func.func @transform_4(%arg0: i32) -> (i32, i32) {
    %c0_i32 = arith.constant 0 : i32
    %c0_i32_0 = arith.constant 0 : i32
    return %arg0, %c0_i32 : i32, i32
  }
  func.func @transform_5(%arg0: i32) -> (i32, i32) {
    %c0_i32 = arith.constant 0 : i32
    %c0_i32_0 = arith.constant 0 : i32
    %c0_i32_1 = arith.constant 0 : i32
    return %c0_i32, %c0_i32_0 : i32, i32
  }
  func.func @transform_6(%arg0: i32) -> (i32, i32) {
    %c0_i32 = arith.constant 0 : i32
    %c0_i32_0 = arith.constant 0 : i32
    %c0_i32_1 = arith.constant 0 : i32
    return %c0_i32, %c0_i32_0 : i32, i32
  }
  func.func @transform_7(%arg0: i32) -> (i32, i32) {
    %c0_i32 = arith.constant 0 : i32
    %c0_i32_0 = arith.constant 0 : i32
    %c0_i32_1 = arith.constant 0 : i32
    return %c0_i32, %c0_i32_0 : i32, i32
  }
  func.func @transform_8(%arg0: i32) -> (i32, i32) {
    %c0_i32 = arith.constant 0 : i32
    %c0_i32_0 = arith.constant 0 : i32
    %c0_i32_1 = arith.constant 0 : i32
    return %c0_i32, %c0_i32_0 : i32, i32
  }
  func.func @transform_9(%arg0: i32) -> (i32, i32) {
    %c0_i32 = arith.constant 0 : i32
    %c0_i32_0 = arith.constant 0 : i32
    %c0_i32_1 = arith.constant 0 : i32
    return %c0_i32, %c0_i32_0 : i32, i32
  }
  func.func @transform_10(%arg0: i32) -> (i32, i32) {
    %c0_i32 = arith.constant 0 : i32
    %c0_i32_0 = arith.constant 0 : i32
    %c0_i32_1 = arith.constant 0 : i32
    return %c0_i32, %c0_i32_0 : i32, i32
  }
  func.func @transform_11(%arg0: i32) -> (i32, i32) {
    %c0_i32 = arith.constant 0 : i32
    %c0_i32_0 = arith.constant 0 : i32
    %c0_i32_1 = arith.constant 0 : i32
    return %c0_i32, %c0_i32_0 : i32, i32
  }
  func.func @transform_12(%arg0: i32) -> (i32, i32) {
    %c0_i32 = arith.constant 0 : i32
    %c0_i32_0 = arith.constant 0 : i32
    %c0_i32_1 = arith.constant 0 : i32
    return %c0_i32, %c0_i32_0 : i32, i32
  }
  func.func @transform_13(%arg0: i32) -> (i32, i32) {
    %c0_i32 = arith.constant 0 : i32
    %c0_i32_0 = arith.constant 0 : i32
    %c0_i32_1 = arith.constant 0 : i32
    return %c0_i32, %c0_i32_0 : i32, i32
  }
  func.func @transform_14(%arg0: i32) -> (i32, i32) {
    %c0_i32 = arith.constant 0 : i32
    %c0_i32_0 = arith.constant 0 : i32
    %c0_i32_1 = arith.constant 0 : i32
    return %c0_i32, %c0_i32_0 : i32, i32
  }
  func.func @transform_15(%arg0: i32) -> (i32, i32) {
    %c0_i32 = arith.constant 0 : i32
    %c0_i32_0 = arith.constant 0 : i32
    return %arg0, %c0_i32 : i32, i32
  }
  func.func @transform_16(%arg0: i32) -> (i32, i32) {
    %c0_i32 = arith.constant 0 : i32
    %c0_i32_0 = arith.constant 0 : i32
    return %arg0, %c0_i32 : i32, i32
  }
}

module attributes {stable_mosaic.version = 14 : i64} {
  func.func @body(%arg0: i32, %arg1: memref<2000x128xf32, #tpu.memory_space<vmem>>, %arg2: memref<2000x128xf32, #tpu.memory_space<vmem>>, %arg3: memref<2000x128xf32, #tpu.memory_space<vmem>>, %arg4: memref<2000x16xf32, #tpu.memory_space<vmem>>, %arg5: memref<2000x16xf32, #tpu.memory_space<vmem>>, %arg6: memref<2000x16xf32, #tpu.memory_space<vmem>>, %arg7: memref<128x128xf32, #tpu.memory_space<vmem>>, %arg8: memref<128x128xf32, #tpu.memory_space<vmem>>, %arg9: memref<1x128xf32, #tpu.memory_space<vmem>>, %arg10: memref<128x128xf32, #tpu.memory_space<vmem>>, %arg11: memref<1x128xf32, #tpu.memory_space<vmem>>, %arg12: memref<2000x128xf32, #tpu.memory_space<vmem>>, %arg13: memref<2000x16xf32, #tpu.memory_space<vmem>>) attributes {dimension_semantics = [#tpu.dimension_semantics<arbitrary>], iteration_bounds = array<i64: 5>, scalar_prefetch = 0 : i64, scratch_operands = 0 : i64, tpu.core_type = #tpu.core_type<tc>, window_params = [{transform_indices = @transform_0, window_bounds = array<i64: 2000, 128>}, {transform_indices = @transform_1, window_bounds = array<i64: 2000, 128>}, {transform_indices = @transform_2, window_bounds = array<i64: 2000, 128>}, {transform_indices = @transform_3, window_bounds = array<i64: 2000, 16>}, {transform_indices = @transform_4, window_bounds = array<i64: 2000, 16>}, {transform_indices = @transform_5, window_bounds = array<i64: 2000, 16>}, {pipeline_mode = #tpu.pipeline_mode<synchronous>, transform_indices = @transform_6, window_bounds = array<i64: 128, 128>}, {pipeline_mode = #tpu.pipeline_mode<synchronous>, transform_indices = @transform_7, window_bounds = array<i64: 128, 128>}, {pipeline_mode = #tpu.pipeline_mode<synchronous>, transform_indices = @transform_8, window_bounds = array<i64: 1, 128>}, {pipeline_mode = #tpu.pipeline_mode<synchronous>, transform_indices = @transform_9, window_bounds = array<i64: 128, 128>}, {pipeline_mode = #tpu.pipeline_mode<synchronous>, transform_indices = @transform_10, window_bounds = array<i64: 1, 128>}, {transform_indices = @transform_11, window_bounds = array<i64: 2000, 128>}, {transform_indices = @transform_12, window_bounds = array<i64: 2000, 16>}]} {
    %get3A = arith.constant 0 : index
    %get3A_0 = arith.constant 0 : index
    %get3A_1 = vector.load %arg1[%get3A, %get3A_0] : memref<2000x128xf32, #tpu.memory_space<vmem>>, vector<2000x128xf32>
    %get3A_2 = arith.constant 0 : index
    %get3A_3 = arith.constant 0 : index
    %get3A_4 = vector.load %arg2[%get3A_2, %get3A_3] : memref<2000x128xf32, #tpu.memory_space<vmem>>, vector<2000x128xf32>
    %get3A_5 = arith.constant 0 : index
    %get3A_6 = arith.constant 0 : index
    %get3A_7 = vector.load %arg3[%get3A_5, %get3A_6] : memref<2000x128xf32, #tpu.memory_space<vmem>>, vector<2000x128xf32>
    %add3A = arith.addf %get3A_4, %get3A_7 : vector<2000x128xf32>
    %get3A_8 = arith.constant 0 : index
    %get3A_9 = arith.constant 0 : index
    %get3A_10 = vector.load %arg7[%get3A_8, %get3A_9] : memref<128x128xf32, #tpu.memory_space<vmem>>, vector<128x128xf32>
    %dot_general3A = arith.constant dense<0.000000e+00> : vector<2000x128xf32>
    %dot_general3A_11 = tpu.matmul %get3A_1, %get3A_10, %dot_general3A {dimension_numbers = #tpu.dot_dimension_numbers<[1], [0], [0], [1], [0, 0, 1, 1], [], []>, transpose_lhs_hint = false} : vector<2000x128xf32>, vector<128x128xf32>, vector<2000x128xf32> -> vector<2000x128xf32>
    %get3A_12 = arith.constant 0 : index
    %get3A_13 = arith.constant 0 : index
    %get3A_14 = vector.load %arg8[%get3A_12, %get3A_13] : memref<128x128xf32, #tpu.memory_space<vmem>>, vector<128x128xf32>
    %dot_general3A_15 = arith.constant dense<0.000000e+00> : vector<2000x128xf32>
    %dot_general3A_16 = tpu.matmul %add3A, %get3A_14, %dot_general3A_15 {dimension_numbers = #tpu.dot_dimension_numbers<[1], [0], [0], [1], [0, 0, 1, 1], [], []>, transpose_lhs_hint = false} : vector<2000x128xf32>, vector<128x128xf32>, vector<2000x128xf32> -> vector<2000x128xf32>
    %add3A_17 = arith.addf %dot_general3A_11, %dot_general3A_16 : vector<2000x128xf32>
    %get3A_18 = arith.constant 0 : index
    %get3A_19 = arith.constant 0 : index
    %get3A_20 = vector.load %arg9[%get3A_18, %get3A_19] : memref<1x128xf32, #tpu.memory_space<vmem>>, vector<1x128xf32>
    %add3A_21 = vector.broadcast %get3A_20 : vector<1x128xf32> to vector<2000x128xf32>
    %add3A_22 = arith.addf %add3A_17, %add3A_21 : vector<2000x128xf32>
    %logistic3A = arith.negf %add3A_22 : vector<2000x128xf32>
    %logistic3A_23 = math.exp %logistic3A : vector<2000x128xf32>
    %logistic3A_24 = arith.constant 1.000000e+00 : f32
    %logistic3A_25 = vector.broadcast %logistic3A_24 : f32 to vector<2000x128xf32>
    %logistic3A_26 = arith.addf %logistic3A_25, %logistic3A_23 : vector<2000x128xf32>
    %logistic3A_27 = arith.divf %logistic3A_25, %logistic3A_26 : vector<2000x128xf32>
    %mul3A = arith.mulf %add3A_22, %logistic3A_27 : vector<2000x128xf32>
    %get3A_28 = arith.constant 0 : index
    %get3A_29 = arith.constant 0 : index
    %get3A_30 = vector.load %arg10[%get3A_28, %get3A_29] : memref<128x128xf32, #tpu.memory_space<vmem>>, vector<128x128xf32>
    %dot_general3A_31 = arith.constant dense<0.000000e+00> : vector<2000x128xf32>
    %dot_general3A_32 = tpu.matmul %mul3A, %get3A_30, %dot_general3A_31 {dimension_numbers = #tpu.dot_dimension_numbers<[1], [0], [0], [1], [0, 0, 1, 1], [], []>, transpose_lhs_hint = false} : vector<2000x128xf32>, vector<128x128xf32>, vector<2000x128xf32> -> vector<2000x128xf32>
    %get3A_33 = arith.constant 0 : index
    %get3A_34 = arith.constant 0 : index
    %get3A_35 = vector.load %arg11[%get3A_33, %get3A_34] : memref<1x128xf32, #tpu.memory_space<vmem>>, vector<1x128xf32>
    %add3A_36 = vector.broadcast %get3A_35 : vector<1x128xf32> to vector<2000x128xf32>
    %add3A_37 = arith.addf %dot_general3A_32, %add3A_36 : vector<2000x128xf32>
    %add3A_38 = arith.addf %get3A_1, %add3A_37 : vector<2000x128xf32>
    %swap3A = arith.constant 0 : index
    %swap3A_39 = arith.constant 0 : index
    %swap3A_40 = vector.load %arg12[%swap3A, %swap3A_39] : memref<2000x128xf32, #tpu.memory_space<vmem>>, vector<2000x128xf32>
    tpu.vector_store %arg12[%swap3A, %swap3A_39], %add3A_38 {strides = array<i32>} : memref<2000x128xf32, #tpu.memory_space<vmem>>, vector<2000x128xf32>,
    %get3A_41 = arith.constant 0 : index
    %get3A_42 = arith.constant 0 : index
    %get3A_43 = vector.load %arg4[%get3A_41, %get3A_42] : memref<2000x16xf32, #tpu.memory_space<vmem>>, vector<2000x16xf32>
    %get3A_44 = arith.constant 0 : index
    %get3A_45 = arith.constant 0 : index
    %get3A_46 = vector.load %arg5[%get3A_44, %get3A_45] : memref<2000x16xf32, #tpu.memory_space<vmem>>, vector<2000x16xf32>
    %add3A_47 = arith.addf %get3A_43, %get3A_46 : vector<2000x16xf32>
    %slice3A = vector.extract_strided_slice %add3A_47 {offsets = [0, 12], sizes = [2000, 1], strides = [1, 1]} : vector<2000x16xf32> to vector<2000x1xf32>
    %max3A = arith.constant 1.000000e+00 : f32
    %max3A_48 = vector.broadcast %max3A : f32 to vector<2000x1xf32>
    %max3A_49 = arith.maximumf %slice3A, %max3A_48 : vector<2000x1xf32>
    %get3A_50 = arith.constant 0 : index
    %get3A_51 = arith.constant 0 : index
    %get3A_52 = vector.load %arg6[%get3A_50, %get3A_51] : memref<2000x16xf32, #tpu.memory_space<vmem>>, vector<2000x16xf32>
    %div3A = vector.broadcast %max3A_49 : vector<2000x1xf32> to vector<2000x16xf32>
    %div3A_53 = arith.divf %add3A_47, %div3A : vector<2000x16xf32>
    %add3A_54 = arith.addf %get3A_52, %div3A_53 : vector<2000x16xf32>
    %swap3A_55 = arith.constant 0 : index
    %swap3A_56 = arith.constant 0 : index
    %swap3A_57 = vector.load %arg13[%swap3A_55, %swap3A_56] : memref<2000x16xf32, #tpu.memory_space<vmem>>, vector<2000x16xf32>
    tpu.vector_store %arg13[%swap3A_55, %swap3A_56], %add3A_54 {strides = array<i32>} : memref<2000x16xf32, #tpu.memory_space<vmem>>, vector<2000x16xf32>,
    return
  }
  func.func @transform_0(%arg0: i32) -> (i32, i32) {
    %c0_i32 = arith.constant 0 : i32
    %c0_i32_0 = arith.constant 0 : i32
    return %arg0, %c0_i32 : i32, i32
  }
  func.func @transform_1(%arg0: i32) -> (i32, i32) {
    %c0_i32 = arith.constant 0 : i32
    %c0_i32_0 = arith.constant 0 : i32
    return %arg0, %c0_i32 : i32, i32
  }
  func.func @transform_2(%arg0: i32) -> (i32, i32) {
    %c0_i32 = arith.constant 0 : i32
    %c0_i32_0 = arith.constant 0 : i32
    return %arg0, %c0_i32 : i32, i32
  }
  func.func @transform_3(%arg0: i32) -> (i32, i32) {
    %c0_i32 = arith.constant 0 : i32
    %c0_i32_0 = arith.constant 0 : i32
    return %arg0, %c0_i32 : i32, i32
  }
  func.func @transform_4(%arg0: i32) -> (i32, i32) {
    %c0_i32 = arith.constant 0 : i32
    %c0_i32_0 = arith.constant 0 : i32
    return %arg0, %c0_i32 : i32, i32
  }
  func.func @transform_5(%arg0: i32) -> (i32, i32) {
    %c0_i32 = arith.constant 0 : i32
    %c0_i32_0 = arith.constant 0 : i32
    return %arg0, %c0_i32 : i32, i32
  }
  func.func @transform_6(%arg0: i32) -> (i32, i32) {
    %c0_i32 = arith.constant 0 : i32
    %c0_i32_0 = arith.constant 0 : i32
    %c0_i32_1 = arith.constant 0 : i32
    return %c0_i32, %c0_i32_0 : i32, i32
  }
  func.func @transform_7(%arg0: i32) -> (i32, i32) {
    %c0_i32 = arith.constant 0 : i32
    %c0_i32_0 = arith.constant 0 : i32
    %c0_i32_1 = arith.constant 0 : i32
    return %c0_i32, %c0_i32_0 : i32, i32
  }
  func.func @transform_8(%arg0: i32) -> (i32, i32) {
    %c0_i32 = arith.constant 0 : i32
    %c0_i32_0 = arith.constant 0 : i32
    %c0_i32_1 = arith.constant 0 : i32
    return %c0_i32, %c0_i32_0 : i32, i32
  }
  func.func @transform_9(%arg0: i32) -> (i32, i32) {
    %c0_i32 = arith.constant 0 : i32
    %c0_i32_0 = arith.constant 0 : i32
    %c0_i32_1 = arith.constant 0 : i32
    return %c0_i32, %c0_i32_0 : i32, i32
  }
  func.func @transform_10(%arg0: i32) -> (i32, i32) {
    %c0_i32 = arith.constant 0 : i32
    %c0_i32_0 = arith.constant 0 : i32
    %c0_i32_1 = arith.constant 0 : i32
    return %c0_i32, %c0_i32_0 : i32, i32
  }
  func.func @transform_11(%arg0: i32) -> (i32, i32) {
    %c0_i32 = arith.constant 0 : i32
    %c0_i32_0 = arith.constant 0 : i32
    return %arg0, %c0_i32 : i32, i32
  }
  func.func @transform_12(%arg0: i32) -> (i32, i32) {
    %c0_i32 = arith.constant 0 : i32
    %c0_i32_0 = arith.constant 0 : i32
    return %arg0, %c0_i32 : i32, i32
  }
}

</mosaic_0001>

<sc_bundles>
// kernel: kernel.11.cloned.1.call-start
scs
__scs_entry_jumppad:
0x0: {  	(pc) =	sbr.rel $0x88, $3  }
0x1: {  	(tag) =	ssettag $0x0;
	lr =	simm.s32 $0x1  }
0x2: {  	[smem:$0x3F92] =	sst lr;
	_ =	strace $0xD0000000  }
0x3: {  	_ = 	snop  }
0x4: {  	_ = 	snop  }
0x5: {  	_ = 	snop  }
0x6: {  	_ = 	snop  }
0x7: {  	_ = 	snop  }
__scs_overlays_trampoline_lowered:
0x8: {  	[smem:$0x3FA1] =	sst s0  }
0x9: {  	[smem:$0x3FA2] =	sst s1  }
0xa: {  	[smem:$0x3FA3] =	sst s2  }
0xb: {  	[smem:$0x3FA4] =	sst s3  }
0xc: {  	[smem:$0x3FA5] =	sst s4  }
0xd: {  	[smem:$0x3FA6] =	sst s5  }
0xe: {  	[smem:$0x3FA7] =	sst s6  }
0xf: {  	[smem:$0x3FA8] =	sst s7  }
0x10: {  	[smem:$0x3FA9] =	sst s8  }
0x11: {  	[smem:$0x3FAA] =	sst s9;
	s0 =	simm.s32 @!p0 $0x0  }
0x12: {  	s1 =	sld [smem:$0x3F90];
	s0 =	simm.s32 @p0 $0x1  }
0x13: {  	[smem:$0x3FAB] =	sst s0;
	s0 =	simm.s32 @!p1 $0x0  }
0x14: {  	s2 =	sld [smem:$0x3F8F];
	s0 =	simm.s32 @p1 $0x1  }
0x15: {  	[smem:$0x3FAC] =	sst s0;
	s0 =	simm.s32 @!p2 $0x0  }
0x16: {  	s3 =	sld [smem:$0x3FDB];
	s0 =	simm.s32 @p2 $0x1  }
0x17: {  	s4 =	simm.s32 $0x1BF5;
	[smem:$0x3FAE] =	sst s0  }
0x18: {  	s0 =	sld [smem:$0x3F91];
	_ =	swait.ge [sflag:s4], $0x0  }
0x19: {  	s7 =	sld [smem:$0x3F92]  }
0x1a: {  	s8 =	sadd.s32 $0xFFFFE003, lr  }
0x1b: {  	s9 =	sadd.s32 $0xFFFFFEF7, lr;
	s5 =	simm.s32 $0xFFFFFFFF;
	p2 =	slt.u32 s8, $0xFFFFF086  }
0x1c: {  	p1 =	slt.u32 s9, $0xF7A;
	s5 =	simm.s32 @!p2 $0x0  }
0x1d: {  	s5 =	simm.s32 @p1 $0x1;
	p0 =	seq.s32 s7, s2  }
0x1e: {  	s7 =	smul.u32 @!p0 $0xF7A, s2;
	p2 =	seq.s32 @!p0 s5, $0x0  }
0x1f: {  	s9 =	smul.u32 $0xF7A, s1;
	s8 =	simm.s32 @!p0 $0x1BF5;
	p2 =	por !p2, p0  }
0x20: {  	[sflag:s8] =	ssyncset.s32 @!p0 $0xFFFFF086;
	s6 =	sadd.s32 @!p0 s3, s7;
	s7 =	simm.s32 @!p0 $0x108  }
0x21: {  	s3 =	sadd.s32 s3, s9;
	s6 =	sadd.s32 @!p0 $0x88, s6;
	s7 =	simm.s32 @p2 $0x1082  }
0x22: {  	[simem:s7], [sflag:s8] =	dma.local @!p0 [hbm:s6], $0xF7A  }
0x23: {  	s9 =	sor.u32 $0xD0000000, s2;
	s6 =	simm.s32 $0x108;
	_ =	swait.ge @!p0 [sflag:s8], $0x0  }
0x24: {  	s3 =	sadd.s32 $0x88, s3;
	s6 =	simm.s32 @!p1 $0x1082;
	[sflag:s4] =	ssyncset.s32 $0xFFFFF086  }
0x25: {  	[simem:s6], [sflag:s4] =	dma.local [hbm:s3], $0xF7A  }
0x26: {  	[smem:$0x3F92] =	sst s1;
	(tag) =	ssettag s2;
	_ =	strace s9  }
0x27: {  	s1 =	sld [smem:$0x3FA2]  }
0x28: {  	s2 =	sld [smem:$0x3FA3]  }
0x29: {  	s4 =	sld [smem:$0x3FA5]  }
0x2a: {  	p0 =	seq.s32 s5, $0x0;
	s5 =	sld [smem:$0x3FA6]  }
0x2b: {  	s6 =	sld [smem:$0x3FA7]  }
0x2c: {  	s7 =	sld [smem:$0x3FA8]  }
0x2d: {  	s3 =	simm.s32 $0x108;
	s8 =	sld [smem:$0x3FA9]  }
0x2e: {  	s3 =	simm.s32 @!p0 $0x1082;
	s9 =	sld [smem:$0x3FAA]  }
0x2f: {  	lr =	sadd.s32 s0, s3;
	s0 =	sld [smem:$0x3FA1]  }
0x30: {  	s3 =	sld [smem:$0x3FA4]  }
0x31: {  	[smem:$0x3FAD] =	sst s10  }
0x32: {  	s10 =	sld [smem:$0x3FAB];
	_ =	sdelay $0x3  }
0x33: {  	p0 =	seq.s32 s10, $0x1;
	s10 =	sld [smem:$0x3FAD];
	_ =	sdelay $0x3  }
0x34: {  	[smem:$0x3FAD] =	sst s10  }
0x35: {  	s10 =	sld [smem:$0x3FAC];
	_ =	sdelay $0x3  }
0x36: {  	p1 =	seq.s32 s10, $0x1;
	s10 =	sld [smem:$0x3FAD];
	_ =	sdelay $0x3  }
0x37: {  	[smem:$0x3FAD] =	sst s10  }
0x38: {  	s10 =	sld [smem:$0x3FAE]  }
0x39: {  	_ = 	snop;
	(pc) =	sbr.ind lr, $3  }
0x3a: {  	_ = 	snop  }
0x3b: {  	_ = 	snop  }
0x3c: {  	p2 =	seq.s32 s10, $0x1;
	s10 =	sld [smem:$0x3FAD]  }
0x3d: {  	_ =	shalt  }
0x3e: {  	_ =	shalt  }
0x3f: {  	_ =	shalt  }
0x40: {  	_ =	shalt  }
0x41: {  	_ =	shalt  }
0x42: {  	_ =	shalt  }
0x43: {  	_ =	shalt  }
0x44: {  	_ =	shalt  }
0x45: {  	_ =	shalt  }
0x46: {  	_ =	shalt  }
0x47: {  	_ =	shalt  }
0x48: {  	_ =	shalt  }
0x49: {  	_ =	shalt  }
0x4a: {  	_ =	shalt  }
0x4b: {  	_ =	shalt  }
0x4c: {  	_ =	shalt  }
0x4d: {  	_ =	shalt  }
0x4e: {  	_ =	shalt  }
0x4f: {  	_ =	shalt  }
0x50: {  	_ =	shalt  }
0x51: {  	_ =	shalt  }
0x52: {  	_ =	shalt  }
0x53: {  	_ =	shalt  }
0x54: {  	_ =	shalt  }
0x55: {  	_ =	shalt  }
0x56: {  	_ =	shalt  }
0x57: {  	_ =	shalt  }
0x58: {  	_ =	shalt  }
0x59: {  	_ =	shalt  }
0x5a: {  	_ =	shalt  }
0x5b: {  	_ =	shalt  }
0x5c: {  	_ =	shalt  }
0x5d: {  	_ =	shalt  }
0x5e: {  	_ =	shalt  }
0x5f: {  	_ =	shalt  }
0x60: {  	_ =	shalt  }
0x61: {  	_ =	shalt  }
0x62: {  	_ =	shalt  }
0x63: {  	_ =	shalt  }
0x64: {  	_ =	shalt  }
0x65: {  	_ =	shalt  }
0x66: {  	_ =	shalt  }
0x67: {  	_ =	shalt  }
0x68: {  	_ =	shalt  }
0x69: {  	_ =	shalt  }
0x6a: {  	_ =	shalt  }
0x6b: {  	_ =	shalt  }
0x6c: {  	_ =	shalt  }
0x6d: {  	_ =	shalt  }
0x6e: {  	_ =	shalt  }
0x6f: {  	_ =	shalt  }
0x70: {  	_ =	shalt  }
0x71: {  	_ =	shalt  }
0x72: {  	_ =	shalt  }
0x73: {  	_ =	shalt  }
0x74: {  	_ =	shalt  }
0x75: {  	_ =	shalt  }
0x76: {  	_ =	shalt  }
0x77: {  	_ =	shalt  }
0x78: {  	_ =	shalt  }
0x79: {  	_ =	shalt  }
0x7a: {  	_ =	shalt  }
0x7b: {  	_ =	shalt  }
0x7c: {  	_ =	shalt  }
0x7d: {  	_ =	shalt  }
0x7e: {  	_ =	shalt  }
0x7f: {  	_ =	shalt  }
0x80: {  	_ =	shalt  }
0x81: {  	_ =	shalt  }
0x82: {  	_ =	shalt  }
0x83: {  	_ =	shalt  }
0x84: {  	_ =	shalt  }
0x85: {  	_ =	shalt  }
0x86: {  	_ =	shalt  }
0x87: {  	_ =	shalt  }
.Lfunc_end0:
.L_simem_size_0:
called_computation.1_lowered:
.L_overlay_start_0:
0x88: {  	s2 =	sld [smem:$0x3FD9]  }
0x89: {  	s3 =	sld [smem:$0x3FFE];
	_ =	sdelay $0x1  }
0x8a: {  	s1 =	srdreg.scid  }
0x8b: {  	s0 =	sand.u32 $0x1, s1  }
0x8c: {  	s14 =	sshll.u32 s0, $0xA;
	s2 =	sadd.s32 s3, s2  }
0x8d: {  	s2 =	sadd.s32 s2, s14  }
0x8e: {  	[smem:$0x3FB9] =	sst s2  }
0x8f: {  	_ = 	snop  }
0x90: {  	s2 =	sld [smem:$0x3FD0];
	_ =	sdelay $0x2  }
0x91: {  	s15 =	simm.s32 $0xA;
	s4 =	simm.s32 $0x10  }
0x92: {  	[smem:s4], [sflag:s15] =	dma.local [hbm:s2], $0x1  }
0x93: {  	_ =	swait.eq [sflag:s15], $0x1  }
0x94: {  	[sflag:s15] =	ssyncset.done $0x0  }
0x95: {  	s16 =	sld [smem:$0x10];
	[sflag:s15] =	ssyncadd.s32 $0xFFFFFFFF  }
0x96: {  	s17 =	sld [smem:$0x11];
	(tm) =	ssettm $0x1  }
0x97: {  	s18 =	sld [smem:$0x3FFB];
	_ =	sdelay $0x3  }
0x98: {  	_ =	strace s18  }
0x99: {  	s4 =	sld [smem:$0x3FFC];
	_ =	sdelay $0x3  }
0x9a: {  	_ =	strace s4  }
0x9b: {  	s4 =	sld [smem:$0x3FFD];
	_ =	sdelay $0x3  }
0x9c: {  	_ =	strace s4  }
0x9d: {  	_ =	strace $0x8FFFFFFF  }
0x9e: {  	s19 =	sld [smem:$0x3FDB];
	_ =	sdelay $0x1  }
0x9f: {  	s5 =	simm.s32 $_scs_section_size  }
0xa0: {  	s6 =	simm.s32 $_size__tile_overlayer_lowered;
	s7 =	simm.s32 $_tile_overlayer_lowered  }
0xa1: {  	s22 =	simm.s32 $0x1BFF;
	s21 =	sshll.u32 s7, $0x1;
	s4 =	sadd.s32 s5, s19  }
0xa2: {  	s8 =	simm.s32 $0x0;
	s20 =	sshll.u32 s6, $0x1;
	s6 =	sadd.s32 s21, s4  }
0xa3: {  	[timem:s8], [sflag:s22] =	dma.local [hbm:s6], s20  }
0xa4: {  	_ =	swait.ge [sflag:s22], s20  }
0xa5: {  	s5 =	ssub.s32 $0x0, s20;
	[sflag:s22] =	ssyncset.done $0x0  }
0xa6: {  	[sflag:s22] =	ssyncadd.s32 s5;
	_ =	sdelay $0x1  }
0xa7: {  	s23 =	simm.s32 $0x1B8B  }
0xa8: {  	_ =	swait.ge [sflag:s23], $0x1  }
0xa9: {  	[sflag:s23] =	ssyncset.done $0x0  }
0xaa: {  	s25 =	simm.s32 $0x1B8E;
	s24 =	sld [smem:$0x3FFE];
	[sflag:s23] =	ssyncadd.s32 $0xFFFFFFFF  }
0xab: {  	s26 =	simm.s32 $execute0_lowered;
	[smem:$0x3FD2] =	sst s25  }
0xac: {  	s6 =	sshll.u32 s26, $0x1;
	_ =	strace $0x80000049;
	[dreg:$0x1] =	wrdreg $0xFFFFFFFF  }
0xad: {  	s28 =	simm.s32 $_size_execute0_lowered;
	s4 =	sadd.s32 s4, s6;
	[dreg:$0x0] =	wrdreg $0x0  }
0xae: {  	s6 =	sshll.u32 s28, $0x1;
	[dreg:$0x2] =	wrdreg s4  }
0xaf: {  	[dreg:$0x3] =	wrdreg s6  }
0xb0: {  	[dreg:$0x4] =	wrdreg $0xC0  }
0xb1: {  	_ =	task [dreg:s8], $0x5FFFF  }
0xb2: {  	[dreg:$0x1] =	wrdreg $0xFFFFFFFF  }
0xb3: {  	[dreg:$0x0] =	wrdreg $0x60  }
0xb4: {  	[dreg:$0x2] =	wrdreg s24  }
0xb5: {  	[dreg:$0x3] =	wrdreg s17  }
0xb6: {  	[dreg:$0x4] =	wrdreg s16  }
0xb7: {  	[dreg:$0x5] =	wrdreg $0x75800  }
0xb8: {  	[dreg:$0x6] =	wrdreg $0x1AE000  }
0xb9: {  	[dreg:$0x7] =	wrdreg $0x9  }
0xba: {  	_ =	task.clear_ibuf [dreg:s8], $0x8FFFF;
	_ =	strace $0x90000049  }
0xbb: {  	s29 =	simm.s32 $0x9;
	_ =	strace $0x8000004B  }
0xbc: {  	_ =	swait.ge [sflag:s29], $0x1  }
0xbd: {  	[sflag:s29] =	ssyncadd.s32 $0xFFFFFFFF  }
0xbe: {  	_ =	strace $0x9000004B  }
0xbf: {  	_ =	sfence  }
0xc0: {  	s30 =	sld [smem:$0x0];
	_ =	sdelay $0x2  }
0xc1: {  	s31 =	sshll.u32 s1, $0xD;
	s1 =	sshrl.u32 s1, $0x2  }
0xc2: {  	s3 =	sand.u32 $0x4000, s31;
	s1 =	sadd.s32 s1, s30  }
0xc3: {  	s0 =	sor.u32 s3, s0;
	s1 =	sshll.u32 s1, $0x11  }
0xc4: {  	s0 =	sor.u32 s1, s0  }
0xc5: {  	s0 =	sadd.s32 $0x8F2B, s0  }
0xc6: {  	[sflag:s0] =	ssyncadd.remote.s32 $0x1  }
0xc7: {  	_ =	sfence.sel $0xFFFF  }
0xc8: {  	[dreg:$0x0] =	wrdreg $0xFFFFFFFF;
	(pc) =	sbr.abs _section_cstart, $3  }
0xc9: {  	[dreg:$0x1] =	wrdreg $0xFFFFFFFF  }
0xca: {  	_ =	task.clear_ibuf [dreg:s8], $0x2FFFF;
	_ =	strace $0x9FFFFFFF  }
0xcb: {  	(tm) =	ssettm $0x7FFFFFFF  }
tec
execute0_lowered:
.L_overlay_start_1:
0x0: {  	(tag) =	ssettag $0x1  }
0x1: {  	s6 =	rddreg [dreg:$0x0];
	s0 =	srdreg.scid  }
0x2: {  	s12 =	rddreg [dreg:$0x2];
	s9 =	sand.u32 $0x1, s0  }
0x3: {  	s0 =	stileid.u32;
	s1 =	smul.u32 $0x27100, s9  }
0x4: {  	s3 =	rddreg [dreg:$0x3];
	s2 =	smul.u32 $0x2700, s0  }
0x5: {  	s4 =	rddreg [dreg:$0x4];
	s13 =	smul.u32 $0x500, s0  }
0x6: {  	s16 =	sadd.s32 $0x7000, s6;
	s5 =	smin.u32 s0, $0x2;
	s10 =	smul.u32 $0xA0, s0  }
0x7: {  	p0 =	slt.u32 s0, $0x2;
	s19 =	smul.u32 $0xA000, s0;
	s24 =	sor.u32 $0x20, s0  }
0x8: {  	s14 =	sshll.u32 s5, $0x7;
	s5 =	simm.s32 $0x0;
	s25 =	smul.u32 $0xA000, s24  }
0x9: {  	s1 =	sadd.s32 s2, s1;
	[smem:$0x7FF] =	sst s5;
	s11 =	sadd.s32 s13, s6  }
0xa: {  	s20 =	sshrl.u32 s19, $0x2;
	s19 =	sor.u32 $0x40, s0;
	s12 =	sadd.s32 s13, s12  }
0xb: {  	s1 =	sadd.s32 s14, s1;
	_ =	strace $0x8000004A;
	[dreg:$0x6] =	wrdreg s16  }
0xc: {  	s14 =	ssub.s32 $0x2, s9;
	s16 =	sor.u32 $0x10, s0;
	[dreg:$0xd] =	wrdreg s12  }
0xd: {  	s30 =	sadd.s32 $0xE3200, s11;
	s11 =	simm.s32 $0x2;
	s21 =	smul.u32 $0xA000, s16  }
0xe: {  	s7 =	sshrl.u32 s1, $0x7;
	s1 =	sshrl.u32 s1, $0x3;
	s23 =	smul.u32 $0x1400, s16  }
0xf: {  	s17 =	sshrl.u32 s14, $0x1;
	s16 =	smul.u32 $0x1400, s24;
	s15 =	sshll.u32 s7, $0xB  }
0x10: {  	s1 =	sadd.s32 s1, s6;
	s7 =	sshll.u32 s7, $0x8;
	s18 =	ssub.s32 s14, s17  }
0x11: {  	s17 =	sor.u32 $0x30, s0;
	s2 =	sadd.s32 s15, s6;
	s15 =	smul.u32 $0x1400, s0  }
0x12: {  	s8 =	sadd.s32 s7, s6;
	s6 =	sadd.s32 s10, s6;
	s26 =	smul.u32 $0xA000, s17  }
0x13: {  	s7 =	simm.s32 $0x4F;
	s10 =	smax.u32 s18, $0x1;
	s17 =	smul.u32 $0x1400, s17  }
0x14: {  	s14 =	sshrl.u32 s21, $0x2;
	s16 =	sshrl.u32 s16, $0x2;
	s21 =	smul.u32 $0xA000, s19  }
0x15: {  	s29 =	sadd.s32 $0x10E00, s1;
	s1 =	simm.s32 $0x4880;
	s7 =	simm.s32 @!p0 $0x4E  }
0x16: {  	p0 =	seq.s32 s9, $0x1;
	[dreg:$0x7] =	wrdreg s10;
	s9 =	sadd.s32 s20, s3  }
0x17: {  	s14 =	sadd.s32 s14, s3;
	s28 =	sadd.s32 $0x1EF3200, s2;
	s31 =	sadd.s32 $0xDE200, s6  }
0x18: {  	s2 =	sadd.s32 $0x7200, s6;
	s6 =	simm.s32 $0x1;
	s22 =	sshrl.u32 s15, $0x2  }
0x19: {  	[dreg:$0x8] =	wrdreg s14;
	s15 =	sshrl.u32 s23, $0x2;
	s14 =	sshrl.u32 s25, $0x2  }
0x1a: {  	s18 =	sshrl.u32 s26, $0x2;
	s20 =	sshrl.u32 s17, $0x2;
	s24 =	sshrl.u32 s21, $0x2  }
0x1b: {  	s26 =	sor.u32 $0x60, s0;
	s10 =	sadd.s32 s22, s4;
	s15 =	sadd.s32 s15, s4  }
0x1c: {  	s22 =	sor.u32 $0x50, s0;
	[dreg:$0x9] =	wrdreg s15;
	s15 =	smul.u32 $0x1400, s19  }
0x1d: {  	s14 =	sadd.s32 s14, s3;
	s23 =	sadd.s32 s20, s4;
	s25 =	smul.u32 $0xA000, s22  }
0x1e: {  	s13 =	sadd.s32 s24, s3;
	[dreg:$0xa] =	wrdreg s14;
	s12 =	smul.u32 $0x1400, s22  }
0x1f: {  	s20 =	sor.u32 $0x70, s0;
	[dreg:$0xe] =	wrdreg s23;
	s19 =	smul.u32 $0x1400, s26  }
0x20: {  	s14 =	sadd.s32 s16, s4;
	[dreg:$0xf] =	wrdreg s13;
	s21 =	smul.u32 $0xA000, s20  }
0x21: {  	s16 =	smul.u32 $0x1400, s20;
	[dreg:$0xb] =	wrdreg s14;
	s14 =	sadd.s32 s18, s3  }
0x22: {  	p1 =	sgt.u32 s20, $0x7C;
	s18 =	smul.u32 $0xA000, s26;
	[dreg:$0xc] =	wrdreg s14  }
0x23: {  	s15 =	sshrl.u32 s15, $0x2;
	s14 =	sshrl.u32 s25, $0x2;
	s12 =	sshrl.u32 s12, $0x2  }
0x24: {  	s23 =	sshrl.u32 s19, $0x2;
	s24 =	sshrl.u32 s21, $0x2;
	s17 =	sadd.s32 s15, s4  }
0x25: {  	s25 =	sshrl.u32 s16, $0x2;
	s14 =	sadd.s32 s14, s3;
	[dreg:$0x10] =	wrdreg s17  }
0x26: {  	s13 =	sshrl.u32 s18, $0x2;
	s12 =	sadd.s32 s12, s4;
	[dreg:$0x11] =	wrdreg s14  }
.Ltmp0:
0x27: {  	s26 =	sadd.s32 s25, s4;
	[dreg:$0x12] =	wrdreg s12;
	(pc) =	sbr.rel .LBB2_1-.Ltmp0, $4  }
0x28: {  	s22 =	sadd.s32 s13, s3;
	s12 =	sadd.s32 s23, s4;
	[dreg:$0x16] =	wrdreg s26  }
0x29: {  	s26 =	sadd.s32 $0x41E00, s8;
	s8 =	simm.s32 $0x7080;
	[dreg:$0x13] =	wrdreg s22  }
0x2a: {  	s13 =	simm.s32 $0x4080;
	[dreg:$0x14] =	wrdreg s12;
	s12 =	sadd.s32 s24, s3  }
0x2b: {  	s14 =	simm.s32 $0x0;
	[dreg:$0x15] =	wrdreg s12;
	s12 =	simm.s32 $0x80  }
.LBB2_10:
0x2c: {  	s14 =	sadd.s32 $0x1, s14;
	s15 =	rddreg [dreg:$0x7]  }
0x2d: {  	p2 =	sne.s32 s14, s15  }
.Ltmp1:
0x2e: {  	_ = 	snop;
	(pc) =	sbr.rel @!p2 .LBB2_11-.Ltmp1, $1  }
0x2f: {  	_ =	sdelay $0x3  }
.LBB2_1:
0x30: {  	s15 =	rddreg [dreg:$0x1]  }
0x31: {  	[tilespmem:s1], [sflag:$0x1] =	stream.linear.gather [hbm4b:s15+s5], $0x2800, $0x38;
	[tilespmem:$0x1D510] =	vst v63  }
0x32: {  	_ =	swait.ge [sflag:s6], $0x2800  }
0x33: {  	[sflag:s6] =	ssyncset.done $0x0  }
0x34: {  	s23 =	rddreg [dreg:$0x6];
	[sflag:s6] =	ssyncadd.s32 $0xFFFFD800  }
0x35: {  	[tilespmem:s8], [sflag:$0x1] =	stream.linear.gather [hbm4b:s23+s5], $0x500, $0x38;
	[tilespmem:$0x1D510] =	vst v63  }
0x36: {  	_ =	swait.ge [sflag:s6], $0x500  }
0x37: {  	[sflag:s6] =	ssyncset.done $0x0  }
0x38: {  	[sflag:s6] =	ssyncadd.s32 $0xFFFFFB00  }
0x39: {  	[spmem:s9] =	stream.linear.scatter [tilespmem:s1], [sflag:$0x2], $0x2800, $0x38;
	[tilespmem:$0x1D510] =	vst v63  }
0x3a: {  	_ =	swait.ge [sflag:s11], $0x2800  }
0x3b: {  	[sflag:s11] =	ssyncset.done $0x0  }
0x3c: {  	[sflag:s11] =	ssyncadd.s32 $0xFFFFD800  }
0x3d: {  	[spmem:s10] =	stream.linear.scatter [tilespmem:s8], [sflag:$0x1], $0x500, $0x38;
	[tilespmem:$0x1D510] =	vst v63  }
0x3e: {  	_ =	swait.ge [sflag:s6], $0x500  }
0x3f: {  	[sflag:s6] =	ssyncset.done $0x0  }
0x40: {  	s24 =	rddreg [dreg:$0x8];
	[sflag:s6] =	ssyncadd.s32 $0xFFFFFB00  }
0x41: {  	[spmem:s24] =	stream.linear.scatter [tilespmem:s1], [sflag:$0x2], $0x2800, $0x38;
	[tilespmem:$0x1D510] =	vst v63  }
0x42: {  	_ =	swait.ge [sflag:s11], $0x2800  }
0x43: {  	[sflag:s11] =	ssyncset.done $0x0  }
0x44: {  	s25 =	rddreg [dreg:$0x9];
	[sflag:s11] =	ssyncadd.s32 $0xFFFFD800  }
0x45: {  	[spmem:s25] =	stream.linear.scatter [tilespmem:s8], [sflag:$0x1], $0x500, $0x38;
	[tilespmem:$0x1D510] =	vst v63  }
0x46: {  	_ =	swait.ge [sflag:s6], $0x500  }
0x47: {  	[sflag:s6] =	ssyncset.done $0x0  }
0x48: {  	s16 =	rddreg [dreg:$0xa];
	[sflag:s6] =	ssyncadd.s32 $0xFFFFFB00  }
0x49: {  	[spmem:s16] =	stream.linear.scatter [tilespmem:s1], [sflag:$0x2], $0x2800, $0x38;
	[tilespmem:$0x1D510] =	vst v63  }
0x4a: {  	_ =	swait.ge [sflag:s11], $0x2800  }
0x4b: {  	[sflag:s11] =	ssyncset.done $0x0  }
0x4c: {  	s17 =	rddreg [dreg:$0xb];
	[sflag:s11] =	ssyncadd.s32 $0xFFFFD800  }
0x4d: {  	[spmem:s17] =	stream.linear.scatter [tilespmem:s8], [sflag:$0x1], $0x500, $0x38;
	[tilespmem:$0x1D510] =	vst v63  }
0x4e: {  	_ =	swait.ge [sflag:s6], $0x500  }
0x4f: {  	[sflag:s6] =	ssyncset.done $0x0  }
0x50: {  	s18 =	rddreg [dreg:$0xc];
	[sflag:s6] =	ssyncadd.s32 $0xFFFFFB00  }
0x51: {  	[spmem:s18] =	stream.linear.scatter [tilespmem:s1], [sflag:$0x2], $0x2800, $0x38;
	[tilespmem:$0x1D510] =	vst v63  }
0x52: {  	_ =	swait.ge [sflag:s11], $0x2800  }
0x53: {  	[sflag:s11] =	ssyncset.done $0x0  }
0x54: {  	s19 =	rddreg [dreg:$0xe];
	[sflag:s11] =	ssyncadd.s32 $0xFFFFD800  }
0x55: {  	[spmem:s19] =	stream.linear.scatter [tilespmem:s8], [sflag:$0x1], $0x500, $0x38;
	[tilespmem:$0x1D510] =	vst v63  }
0x56: {  	_ =	swait.ge [sflag:s6], $0x500  }
0x57: {  	[sflag:s6] =	ssyncset.done $0x0  }
0x58: {  	s20 =	rddreg [dreg:$0xf];
	[sflag:s6] =	ssyncadd.s32 $0xFFFFFB00  }
0x59: {  	[spmem:s20] =	stream.linear.scatter [tilespmem:s1], [sflag:$0x2], $0x2800, $0x38;
	[tilespmem:$0x1D510] =	vst v63  }
0x5a: {  	_ =	swait.ge [sflag:s11], $0x2800  }
0x5b: {  	[sflag:s11] =	ssyncset.done $0x0  }
0x5c: {  	s21 =	rddreg [dreg:$0x10];
	[sflag:s11] =	ssyncadd.s32 $0xFFFFD800  }
0x5d: {  	[spmem:s21] =	stream.linear.scatter [tilespmem:s8], [sflag:$0x1], $0x500, $0x38;
	[tilespmem:$0x1D510] =	vst v63  }
0x5e: {  	_ =	swait.ge [sflag:s6], $0x500  }
0x5f: {  	[sflag:s6] =	ssyncset.done $0x0  }
0x60: {  	s22 =	rddreg [dreg:$0x11];
	[sflag:s6] =	ssyncadd.s32 $0xFFFFFB00  }
0x61: {  	[spmem:s22] =	stream.linear.scatter [tilespmem:s1], [sflag:$0x2], $0x2800, $0x38;
	[tilespmem:$0x1D510] =	vst v63  }
0x62: {  	_ =	swait.ge [sflag:s11], $0x2800  }
0x63: {  	[sflag:s11] =	ssyncset.done $0x0  }
0x64: {  	s23 =	rddreg [dreg:$0x12];
	[sflag:s11] =	ssyncadd.s32 $0xFFFFD800  }
0x65: {  	[spmem:s23] =	stream.linear.scatter [tilespmem:s8], [sflag:$0x1], $0x500, $0x38;
	[tilespmem:$0x1D510] =	vst v63  }
0x66: {  	_ =	swait.ge [sflag:s6], $0x500  }
0x67: {  	[sflag:s6] =	ssyncset.done $0x0  }
0x68: {  	s24 =	rddreg [dreg:$0x13];
	[sflag:s6] =	ssyncadd.s32 $0xFFFFFB00  }
0x69: {  	[spmem:s24] =	stream.linear.scatter [tilespmem:s1], [sflag:$0x2], $0x2800, $0x38;
	[tilespmem:$0x1D510] =	vst v63  }
0x6a: {  	_ =	swait.ge [sflag:s11], $0x2800  }
0x6b: {  	[sflag:s11] =	ssyncset.done $0x0  }
0x6c: {  	s25 =	rddreg [dreg:$0x14];
	[sflag:s11] =	ssyncadd.s32 $0xFFFFD800  }
0x6d: {  	[spmem:s25] =	stream.linear.scatter [tilespmem:s8], [sflag:$0x1], $0x500, $0x38;
	[tilespmem:$0x1D510] =	vst v63  }
0x6e: {  	_ =	swait.ge [sflag:s6], $0x500  }
0x6f: {  	[sflag:s6] =	ssyncset.done $0x0  }
0x70: {  	s15 =	simm.s32 @!p1 $0x4880;
	s16 =	rddreg [dreg:$0x15];
	[sflag:s6] =	ssyncadd.s32 $0xFFFFFB00  }
0x71: {  	[spmem:s16] =	stream.linear.scatter @!p1 [tilespmem:s15], [sflag:$0x2], $0x2800, $0x38;
	[tilespmem:$0x1D510] =	vst v63  }
0x72: {  	s15 =	simm.s32 @!p1 $0x2  }
0x73: {  	_ =	swait.ge @!p1 [sflag:s15], $0x2800  }
0x74: {  	[sflag:s15] =	ssyncset.done @!p1 $0x0  }
0x75: {  	s16 =	rddreg [dreg:$0x16];
	[sflag:s15] =	ssyncadd.s32 @!p1 $0xFFFFD800;
	s15 =	simm.s32 @!p1 $0x7080  }
0x76: {  	[spmem:s16] =	stream.linear.scatter @!p1 [tilespmem:s15], [sflag:$0x1], $0x500, $0x38;
	[tilespmem:$0x1D510] =	vst v63  }
0x77: {  	s15 =	simm.s32 @!p1 $0x1  }
0x78: {  	_ =	swait.ge @!p1 [sflag:s15], $0x500  }
0x79: {  	[sflag:s15] =	ssyncset.done @!p1 $0x0  }
0x7a: {  	[sflag:s15] =	ssyncadd.s32 @!p1 $0xFFFFFB00  }
0x7b: {  	[bflag:$0x0] =	sbarrier.arrive $0xFFFF  }
0x7c: {  	[tilespmem:s5], [sflag:$0x1] =	stream.linear.gather [hbm4b:s29+s5], $0x80, $0x38;
	[tilespmem:$0x1D510] =	vst v63  }
0x7d: {  	_ =	swait.ge [sflag:s6], $0x80  }
0x7e: {  	[sflag:s6] =	ssyncset.done $0x0  }
0x7f: {  	[sflag:s6] =	ssyncadd.s32 $0xFFFFFF80  }
0x80: {  	[tilespmem:s12], [sflag:$0x1] =	stream.linear.gather [hbm4b:s28+s5], $0x4000, $0x38;
	[tilespmem:$0x1D510] =	vst v63  }
0x81: {  	_ =	swait.ge [sflag:s6], $0x4000  }
0x82: {  	[sflag:s6] =	ssyncset.done $0x0  }
0x83: {  	[sflag:s6] =	ssyncadd.s32 $0xFFFFC000  }
0x84: {  	[tilespmem:s13], [sflag:$0x1] =	stream.linear.gather [hbm4b:s26+s5], $0x800, $0x38;
	[tilespmem:$0x1D510] =	vst v63  }
0x85: {  	_ =	swait.ge [sflag:s6], $0x800  }
0x86: {  	[sflag:s6] =	ssyncset.done $0x0  }
0x87: {  	[sflag:s6] =	ssyncadd.s32 $0xFFFFF800  }
0x88: {  	[spmem:s3] =	stream.indirect.scatter.add.f32 [tilespmem:s12], [sflag:$0x1], $0x80, s5, s12, $0xb8;
	[tilespmem:$0x1D510] =	vst v63  }
0x89: {  	p2 =	sne.s32 s7, $0x1;
	_ =	swait.ge [sflag:s6], $0x4000  }
.Ltmp2:
0x8a: {  	[sflag:s6] =	ssyncset.done $0x0;
	(pc) =	sbr.rel @!p2 .LBB2_3-.Ltmp2, $4  }
0x8b: {  	[sflag:s6] =	ssyncadd.s32 $0xFFFFC000  }
0x8c: {  	[spmem:s4] =	stream.indirect.scatter.add.f32 [tilespmem:s13], [sflag:$0x1], $0x10, s5, s12, $0xb8;
	[tilespmem:$0x1D510] =	vst v63  }
0x8d: {  	s17 =	smov.u32 s26;
	s18 =	smov.u32 s28;
	_ =	swait.ge [sflag:s6], $0x800  }
0x8e: {  	s16 =	sadd.s32 $0x10, s29;
	s15 =	sadd.s32 $0xFFFFFFFF, s7;
	[sflag:s6] =	ssyncset.done $0x0  }
.LBB2_2:
0x8f: {  	[sflag:s6] =	ssyncadd.s32 $0xFFFFF800;
	s17 =	sadd.s32 $0x100, s17;
	s18 =	sadd.s32 $0x800, s18  }
0x90: {  	[tilespmem:s5], [sflag:$0x1] =	stream.linear.gather [hbm4b:s16+s5], $0x80, $0x38;
	[tilespmem:$0x1D510] =	vst v63  }
0x91: {  	p2 =	sne.s32 s15, $0x1;
	s15 =	sadd.s32 $0xFFFFFFFF, s15;
	_ =	swait.ge [sflag:s6], $0x80  }
0x92: {  	[sflag:s6] =	ssyncset.done $0x0  }
0x93: {  	[sflag:s6] =	ssyncadd.s32 $0xFFFFFF80  }
0x94: {  	[tilespmem:s12], [sflag:$0x1] =	stream.linear.gather [hbm4b:s18+s5], $0x4000, $0x38;
	[tilespmem:$0x1D510] =	vst v63  }
0x95: {  	_ =	swait.ge [sflag:s6], $0x4000  }
0x96: {  	[sflag:s6] =	ssyncset.done $0x0  }
0x97: {  	[sflag:s6] =	ssyncadd.s32 $0xFFFFC000  }
0x98: {  	[tilespmem:s13], [sflag:$0x1] =	stream.linear.gather [hbm4b:s17+s5], $0x800, $0x38;
	[tilespmem:$0x1D510] =	vst v63  }
0x99: {  	_ =	swait.ge [sflag:s6], $0x800  }
0x9a: {  	[sflag:s6] =	ssyncset.done $0x0  }
0x9b: {  	[sflag:s6] =	ssyncadd.s32 $0xFFFFF800  }
0x9c: {  	[spmem:s3] =	stream.indirect.scatter.add.f32 [tilespmem:s12], [sflag:$0x1], $0x80, s5, s12, $0xb8;
	[tilespmem:$0x1D510] =	vst v63  }
0x9d: {  	_ =	swait.ge [sflag:s6], $0x4000  }
.Ltmp3:
0x9e: {  	[sflag:s6] =	ssyncset.done $0x0;
	(pc) =	sbr.rel @p2 .LBB2_2-.Ltmp3, $4  }
0x9f: {  	[sflag:s6] =	ssyncadd.s32 $0xFFFFC000  }
0xa0: {  	[spmem:s4] =	stream.indirect.scatter.add.f32 [tilespmem:s13], [sflag:$0x1], $0x10, s5, s12, $0xb8;
	[tilespmem:$0x1D510] =	vst v63  }
0xa1: {  	_ =	swait.ge [sflag:s6], $0x800  }
0xa2: {  	s16 =	sadd.s32 $0x10, s16;
	[sflag:s6] =	ssyncset.done $0x0  }
.LBB2_3:
.Ltmp4:
0xa3: {  	(pc) =	sbr.rel @!p0 .LBB2_4-.Ltmp4, $4  }
0xa4: {  	_ = 	snop  }
0xa5: {  	[sflag:s6] =	ssyncadd.s32 $0xFFFFF800  }
0xa6: {  	s15 =	sadd.s32 $0x0, s0;
	[bflag:$0x0] =	sbarrier.arrive $0xFFFF  }
0xa7: {  	p2 =	sgt.u32 s15, $0x7C  }
0xa8: {  	s15 =	simm.s32 @!p2 $0x4880;
	s18 =	simm.s32 @!p2 $0x2  }
0xa9: {  	[tilespmem:s15], [sflag:$0x2] =	stream.linear.gather @!p2 [spmem:s9], $0x2800, $0x38;
	[tilespmem:$0x1D510] =	vst v63  }
0xaa: {  	_ =	swait.ge @!p2 [sflag:s18], $0x2800  }
0xab: {  	[sflag:s18] =	ssyncset.done @!p2 $0x0  }
0xac: {  	s19 =	simm.s32 @!p2 $0x0;
	[sflag:s18] =	ssyncadd.s32 @!p2 $0xFFFFD800;
	p2 =	por p2, p2  }
0xad: {  	[hbm4b:s30+s19] =	stream.linear.scatter @!p2 [tilespmem:s15], [sflag:$0x2], $0x2800, $0x38;
	[tilespmem:$0x1D510] =	vst v63  }
0xae: {  	_ =	swait.ge @!p2 [sflag:s18], $0x2800  }
0xaf: {  	[sflag:s18] =	ssyncset.done @!p2 $0x0  }
0xb0: {  	s21 =	simm.s32 @!p2 $0x7080;
	[sflag:s18] =	ssyncadd.s32 @!p2 $0xFFFFD800  }
0xb1: {  	[tilespmem:s21], [sflag:$0x2] =	stream.linear.gather @!p2 [spmem:s10], $0x500, $0x38;
	[tilespmem:$0x1D510] =	vst v63  }
0xb2: {  	_ =	swait.ge @!p2 [sflag:s18], $0x500  }
0xb3: {  	s17 =	simm.s32 $0x20;
	s16 =	sadd.s32 $0x5000, s10;
	[sflag:s18] =	ssyncset.done @!p2 $0x0  }
0xb4: {  	s25 =	sadd.s32 $0x10, s0;
	s20 =	simm.s32 @!p2 $0x1;
	[sflag:s18] =	ssyncadd.s32 @!p2 $0xFFFFFB00  }
0xb5: {  	[hbm4b:s2+s19] =	stream.linear.scatter @!p2 [tilespmem:s21], [sflag:$0x1], $0x500, $0x38;
	[tilespmem:$0x1D510] =	vst v63  }
0xb6: {  	p4 =	sgt.u32 s25, $0x7C;
	s15 =	sadd.s32 $0xA00, s2;
	_ =	swait.ge @!p2 [sflag:s20], $0x500  }
0xb7: {  	s18 =	sadd.s32 $0x5000, s30;
	s19 =	sadd.s32 $0x28000, s9;
	[sflag:s20] =	ssyncset.done @!p2 $0x0  }
.LBB2_8:
0xb8: {  	s21 =	simm.s32 @!p4 $0x4880;
	s22 =	simm.s32 @!p4 $0x2;
	[sflag:s20] =	ssyncadd.s32 @!p2 $0xFFFFFB00  }
0xb9: {  	[tilespmem:s21], [sflag:$0x2] =	stream.linear.gather @!p4 [spmem:s19], $0x2800, $0x38;
	[tilespmem:$0x1D510] =	vst v63  }
0xba: {  	s23 =	smov.u32 s17;
	s17 =	sadd.s32 $0x10, s17;
	_ =	swait.ge @!p4 [sflag:s22], $0x2800  }
0xbb: {  	s24 =	smov.u32 s15;
	p3 =	sne.s32 s17, $0x80;
	[sflag:s22] =	ssyncset.done @!p4 $0x0  }
0xbc: {  	s25 =	simm.s32 @!p4 $0x0;
	p2 =	por p4, p4;
	[sflag:s22] =	ssyncadd.s32 @!p4 $0xFFFFD800  }
0xbd: {  	[hbm4b:s18+s25] =	stream.linear.scatter @!p2 [tilespmem:s21], [sflag:$0x2], $0x2800, $0x38;
	[tilespmem:$0x1D510] =	vst v63  }
0xbe: {  	_ =	swait.ge @!p2 [sflag:s22], $0x2800  }
0xbf: {  	[sflag:s22] =	ssyncset.done @!p2 $0x0  }
0xc0: {  	s21 =	simm.s32 @!p2 $0x7080;
	[sflag:s22] =	ssyncadd.s32 @!p2 $0xFFFFD800  }
0xc1: {  	[tilespmem:s21], [sflag:$0x2] =	stream.linear.gather @!p2 [spmem:s16], $0x500, $0x38;
	[tilespmem:$0x1D510] =	vst v63  }
0xc2: {  	_ =	swait.ge @!p2 [sflag:s22], $0x500  }
.Ltmp5:
0xc3: {  	s16 =	sadd.s32 $0x5000, s16;
	[sflag:s22] =	ssyncset.done @!p2 $0x0;
	(pc) =	sbr.rel @p3 .LBB2_8-.Ltmp5, $4  }
0xc4: {  	s15 =	sadd.s32 $0xA00, s15;
	s20 =	simm.s32 @!p2 $0x1;
	[sflag:s22] =	ssyncadd.s32 @!p2 $0xFFFFFB00  }
0xc5: {  	[hbm4b:s24+s25] =	stream.linear.scatter @!p2 [tilespmem:s21], [sflag:$0x1], $0x500, $0x38;
	[tilespmem:$0x1D510] =	vst v63  }
0xc6: {  	s19 =	sadd.s32 $0x28000, s19;
	s21 =	sadd.s32 s23, s0;
	_ =	swait.ge @!p2 [sflag:s20], $0x500  }
0xc7: {  	s18 =	sadd.s32 $0x5000, s18;
	p4 =	sgt.u32 s21, $0x7C;
	[sflag:s20] =	ssyncset.done @!p2 $0x0  }
0xc8: {  	s17 =	simm.s32 @!p4 $0x4880;
	s21 =	simm.s32 @!p4 $0x2;
	[sflag:s20] =	ssyncadd.s32 @!p2 $0xFFFFFB00  }
0xc9: {  	[tilespmem:s17], [sflag:$0x2] =	stream.linear.gather @!p4 [spmem:s19], $0x2800, $0x38;
	[tilespmem:$0x1D510] =	vst v63  }
0xca: {  	_ =	swait.ge @!p4 [sflag:s21], $0x2800  }
0xcb: {  	[sflag:s21] =	ssyncset.done @!p4 $0x0  }
0xcc: {  	p2 =	por p4, p4;
	s19 =	simm.s32 @!p4 $0x0;
	[sflag:s21] =	ssyncadd.s32 @!p4 $0xFFFFD800  }
0xcd: {  	[hbm4b:s18+s19] =	stream.linear.scatter @!p2 [tilespmem:s17], [sflag:$0x2], $0x2800, $0x38;
	[tilespmem:$0x1D510] =	vst v63  }
0xce: {  	_ =	swait.ge @!p2 [sflag:s21], $0x2800  }
0xcf: {  	[sflag:s21] =	ssyncset.done @!p2 $0x0  }
0xd0: {  	s17 =	simm.s32 @!p2 $0x7080;
	[sflag:s21] =	ssyncadd.s32 @!p2 $0xFFFFD800  }
0xd1: {  	[tilespmem:s17], [sflag:$0x2] =	stream.linear.gather @!p2 [spmem:s16], $0x500, $0x38;
	[tilespmem:$0x1D510] =	vst v63  }
0xd2: {  	_ =	swait.ge @!p2 [sflag:s21], $0x500  }
0xd3: {  	[sflag:s21] =	ssyncset.done @!p2 $0x0  }
.Ltmp6:
0xd4: {  	s16 =	simm.s32 @!p2 $0x1;
	[sflag:s21] =	ssyncadd.s32 @!p2 $0xFFFFFB00;
	(pc) =	sbr.rel .LBB2_10-.Ltmp6, $4  }
0xd5: {  	[hbm4b:s15+s19] =	stream.linear.scatter @!p2 [tilespmem:s17], [sflag:$0x1], $0x500, $0x38;
	[tilespmem:$0x1D510] =	vst v63  }
0xd6: {  	_ =	swait.ge @!p2 [sflag:s16], $0x500  }
0xd7: {  	[sflag:s16] =	ssyncset.done @!p2 $0x0  }
0xd8: {  	[sflag:s16] =	ssyncadd.s32 @!p2 $0xFFFFFB00  }
.LBB2_4:
0xd9: {  	s15 =	simm.s32 @!p2 $0x4880;
	s18 =	simm.s32 @!p2 $0x2  }
0xda: {  	[tilespmem:s15], [sflag:$0x2] =	stream.linear.gather @!p2 [spmem:s9], $0x2800, $0x38;
	[tilespmem:$0x1D510] =	vst v63  }
0xdb: {  	_ =	swait.ge @!p2 [sflag:s18], $0x2800  }
0xdc: {  	s19 =	simm.s32 @!p2 $0x0;
	[sflag:s18] =	ssyncset.done @!p2 $0x0  }
0xdd: {  	s22 =	rddreg [dreg:$0xd];
	[sflag:s18] =	ssyncadd.s32 @!p2 $0xFFFFD800;
	p2 =	por p2, p2  }
0xde: {  	[hbm4b:s22+s19] =	stream.linear.scatter @!p2 [tilespmem:s15], [sflag:$0x2], $0x2800, $0x38;
	[tilespmem:$0x1D510] =	vst v63  }
0xdf: {  	_ =	swait.ge @!p2 [sflag:s18], $0x2800  }
0xe0: {  	[sflag:s18] =	ssyncset.done @!p2 $0x0  }
0xe1: {  	s21 =	simm.s32 @!p2 $0x7080;
	[sflag:s18] =	ssyncadd.s32 @!p2 $0xFFFFD800  }
0xe2: {  	[tilespmem:s21], [sflag:$0x2] =	stream.linear.gather @!p2 [spmem:s10], $0x500, $0x38;
	[tilespmem:$0x1D510] =	vst v63  }
0xe3: {  	_ =	swait.ge @!p2 [sflag:s18], $0x500  }
0xe4: {  	s17 =	simm.s32 $0x20;
	s16 =	sadd.s32 $0x5000, s10;
	[sflag:s18] =	ssyncset.done @!p2 $0x0  }
0xe5: {  	s25 =	sadd.s32 $0x10, s0;
	s20 =	simm.s32 @!p2 $0x1;
	[sflag:s18] =	ssyncadd.s32 @!p2 $0xFFFFFB00  }
0xe6: {  	[hbm4b:s31+s19] =	stream.linear.scatter @!p2 [tilespmem:s21], [sflag:$0x1], $0x500, $0x38;
	[tilespmem:$0x1D510] =	vst v63  }
0xe7: {  	p4 =	sgt.u32 s25, $0x7C;
	s15 =	sadd.s32 $0xA00, s31;
	_ =	swait.ge @!p2 [sflag:s20], $0x500  }
0xe8: {  	s18 =	sadd.s32 $0x5000, s22;
	s19 =	sadd.s32 $0x28000, s9;
	[sflag:s20] =	ssyncset.done @!p2 $0x0  }
.LBB2_5:
0xe9: {  	s21 =	simm.s32 @!p4 $0x4880;
	s22 =	simm.s32 @!p4 $0x2;
	[sflag:s20] =	ssyncadd.s32 @!p2 $0xFFFFFB00  }
0xea: {  	[tilespmem:s21], [sflag:$0x2] =	stream.linear.gather @!p4 [spmem:s19], $0x2800, $0x38;
	[tilespmem:$0x1D510] =	vst v63  }
0xeb: {  	s23 =	smov.u32 s17;
	s17 =	sadd.s32 $0x10, s17;
	_ =	swait.ge @!p4 [sflag:s22], $0x2800  }
0xec: {  	s24 =	smov.u32 s15;
	p3 =	seq.s32 s17, $0x80;
	[sflag:s22] =	ssyncset.done @!p4 $0x0  }
0xed: {  	s25 =	simm.s32 @!p4 $0x0;
	p2 =	por p4, p4;
	[sflag:s22] =	ssyncadd.s32 @!p4 $0xFFFFD800  }
0xee: {  	[hbm4b:s18+s25] =	stream.linear.scatter @!p2 [tilespmem:s21], [sflag:$0x2], $0x2800, $0x38;
	[tilespmem:$0x1D510] =	vst v63  }
0xef: {  	_ =	swait.ge @!p2 [sflag:s22], $0x2800  }
0xf0: {  	[sflag:s22] =	ssyncset.done @!p2 $0x0  }
0xf1: {  	s21 =	simm.s32 @!p2 $0x7080;
	[sflag:s22] =	ssyncadd.s32 @!p2 $0xFFFFD800  }
0xf2: {  	[tilespmem:s21], [sflag:$0x2] =	stream.linear.gather @!p2 [spmem:s16], $0x500, $0x38;
	[tilespmem:$0x1D510] =	vst v63  }
0xf3: {  	_ =	swait.ge @!p2 [sflag:s22], $0x500  }
.Ltmp7:
0xf4: {  	s16 =	sadd.s32 $0x5000, s16;
	[sflag:s22] =	ssyncset.done @!p2 $0x0;
	(pc) =	sbr.rel @!p3 .LBB2_5-.Ltmp7, $4  }
0xf5: {  	s15 =	sadd.s32 $0xA00, s15;
	s20 =	simm.s32 @!p2 $0x1;
	[sflag:s22] =	ssyncadd.s32 @!p2 $0xFFFFFB00  }
0xf6: {  	[hbm4b:s24+s25] =	stream.linear.scatter @!p2 [tilespmem:s21], [sflag:$0x1], $0x500, $0x38;
	[tilespmem:$0x1D510] =	vst v63  }
0xf7: {  	s19 =	sadd.s32 $0x28000, s19;
	s21 =	sadd.s32 s23, s0;
	_ =	swait.ge @!p2 [sflag:s20], $0x500  }
0xf8: {  	s18 =	sadd.s32 $0x5000, s18;
	p4 =	sgt.u32 s21, $0x7C;
	[sflag:s20] =	ssyncset.done @!p2 $0x0  }
0xf9: {  	s17 =	simm.s32 @!p4 $0x4880;
	s21 =	simm.s32 @!p4 $0x2;
	[sflag:s20] =	ssyncadd.s32 @!p2 $0xFFFFFB00  }
0xfa: {  	[tilespmem:s17], [sflag:$0x2] =	stream.linear.gather @!p4 [spmem:s19], $0x2800, $0x38;
	[tilespmem:$0x1D510] =	vst v63  }
0xfb: {  	_ =	swait.ge @!p4 [sflag:s21], $0x2800  }
0xfc: {  	[sflag:s21] =	ssyncset.done @!p4 $0x0  }
0xfd: {  	p2 =	por p4, p4;
	s19 =	simm.s32 @!p4 $0x0;
	[sflag:s21] =	ssyncadd.s32 @!p4 $0xFFFFD800  }
0xfe: {  	[hbm4b:s18+s19] =	stream.linear.scatter @!p2 [tilespmem:s17], [sflag:$0x2], $0x2800, $0x38;
	[tilespmem:$0x1D510] =	vst v63  }
0xff: {  	_ =	swait.ge @!p2 [sflag:s21], $0x2800  }
0x100: {  	[sflag:s21] =	ssyncset.done @!p2 $0x0  }
0x101: {  	s17 =	simm.s32 @!p2 $0x7080;
	[sflag:s21] =	ssyncadd.s32 @!p2 $0xFFFFD800  }
0x102: {  	[tilespmem:s17], [sflag:$0x2] =	stream.linear.gather @!p2 [spmem:s16], $0x500, $0x38;
	[tilespmem:$0x1D510] =	vst v63  }
0x103: {  	_ =	swait.ge @!p2 [sflag:s21], $0x500  }
0x104: {  	[sflag:s21] =	ssyncset.done @!p2 $0x0  }
.Ltmp8:
0x105: {  	s16 =	simm.s32 @!p2 $0x1;
	[sflag:s21] =	ssyncadd.s32 @!p2 $0xFFFFFB00;
	(pc) =	sbr.rel .LBB2_10-.Ltmp8, $4  }
0x106: {  	[hbm4b:s15+s19] =	stream.linear.scatter @!p2 [tilespmem:s17], [sflag:$0x1], $0x500, $0x38;
	[tilespmem:$0x1D510] =	vst v63  }
0x107: {  	_ =	swait.ge @!p2 [sflag:s16], $0x500  }
0x108: {  	[sflag:s16] =	ssyncset.done @!p2 $0x0  }
0x109: {  	[sflag:s16] =	ssyncadd.s32 @!p2 $0xFFFFFB00  }
.LBB2_11:
0x10a: {  	_ =	sfence.sel $0x180000  }
0x10b: {  	[bflag:$0x0] =	sbarrier.arrive $0xFFFF  }
0x10c: {  	_ =	strace $0x9000004A  }
0x10d: {  	[bflag:$0x2] =	sbarrier.arrive $0xFFFF  }
0x10e: {  	p0 =	sne.s32 s0, $0x0;
	s0 =	rddreg [dreg:$0x5]  }
0x10f: {  	s0 =	sadd.s32 @!p0 $0x100000, s0  }
0x110: {  	[sflag:s0] =	ssyncadd.tile.s32 @!p0 $0x1;
	_ =	shalt  }
.Lfunc_end2:
_tile_overlayer_lowered:
.L_overlay_start_2:
0x111: {  	(tag) =	ssettag $0x2  }
0x112: {  	s0 =	rddreg [dreg:$0x0];
	s2 =	stileid.u32  }
0x113: {  	s1 =	rddreg [dreg:$0x1];
	p0 =	sne.s32 s2, $0x0  }
0x114: {  	s3 =	rddreg [dreg:$0x2];
	[bflag:$0x3] =	sbarrier.arrive $0xFFFF;
	s2 =	simm.s32 @!p0 $0x1C01  }
0x115: {  	[timem:s3], [sflag:s2] =	dma.local @!p0 [hbm:s0], s1  }
0x116: {  	s0 =	simm.s32 @!p0 $0x1  }
0x117: {  	_ =	swait.ge @!p0 [sflag:s0], s1  }
0x118: {  	s1 =	ssub.s32 @!p0 $0x0, s1;
	[sflag:s0] =	ssyncset.done @!p0 $0x0  }
0x119: {  	[sflag:s0] =	ssyncadd.s32 @!p0 s1  }
0x11a: {  	[bflag:$0x3] =	sbarrier.arrive $0xFFFF  }
0x11b: {  	_ =	shalt  }

// kernel: kernel.8.cloned.1.call-start
scs
__scs_entry_jumppad:
0x0: {  	(pc) =	sbr.rel $0x88, $3  }
0x1: {  	(tag) =	ssettag $0x0;
	lr =	simm.s32 $0x1  }
0x2: {  	[smem:$0x3F92] =	sst lr;
	_ =	strace $0xD0000000  }
0x3: {  	_ = 	snop  }
0x4: {  	_ = 	snop  }
0x5: {  	_ = 	snop  }
0x6: {  	_ = 	snop  }
0x7: {  	_ = 	snop  }
__scs_overlays_trampoline_lowered:
0x8: {  	[smem:$0x3FA1] =	sst s0  }
0x9: {  	[smem:$0x3FA2] =	sst s1  }
0xa: {  	[smem:$0x3FA3] =	sst s2  }
0xb: {  	[smem:$0x3FA4] =	sst s3  }
0xc: {  	[smem:$0x3FA5] =	sst s4  }
0xd: {  	[smem:$0x3FA6] =	sst s5  }
0xe: {  	[smem:$0x3FA7] =	sst s6  }
0xf: {  	[smem:$0x3FA8] =	sst s7  }
0x10: {  	[smem:$0x3FA9] =	sst s8  }
0x11: {  	[smem:$0x3FAA] =	sst s9;
	s0 =	simm.s32 @!p0 $0x0  }
0x12: {  	s1 =	sld [smem:$0x3F90];
	s0 =	simm.s32 @p0 $0x1  }
0x13: {  	[smem:$0x3FAB] =	sst s0;
	s0 =	simm.s32 @!p1 $0x0  }
0x14: {  	s2 =	sld [smem:$0x3F8F];
	s0 =	simm.s32 @p1 $0x1  }
0x15: {  	[smem:$0x3FAC] =	sst s0;
	s0 =	simm.s32 @!p2 $0x0  }
0x16: {  	s3 =	sld [smem:$0x3FDB];
	s0 =	simm.s32 @p2 $0x1  }
0x17: {  	s4 =	simm.s32 $0x1BF5;
	[smem:$0x3FAE] =	sst s0  }
0x18: {  	s0 =	sld [smem:$0x3F91];
	_ =	swait.ge [sflag:s4], $0x0  }
0x19: {  	s7 =	sld [smem:$0x3F92]  }
0x1a: {  	s8 =	sadd.s32 $0xFFFFE003, lr  }
0x1b: {  	s9 =	sadd.s32 $0xFFFFFEF7, lr;
	s5 =	simm.s32 $0xFFFFFFFF;
	p2 =	slt.u32 s8, $0xFFFFF086  }
0x1c: {  	p1 =	slt.u32 s9, $0xF7A;
	s5 =	simm.s32 @!p2 $0x0  }
0x1d: {  	s5 =	simm.s32 @p1 $0x1;
	p0 =	seq.s32 s7, s2  }
0x1e: {  	s7 =	smul.u32 @!p0 $0xF7A, s2;
	p2 =	seq.s32 @!p0 s5, $0x0  }
0x1f: {  	s9 =	smul.u32 $0xF7A, s1;
	s8 =	simm.s32 @!p0 $0x1BF5;
	p2 =	por !p2, p0  }
0x20: {  	[sflag:s8] =	ssyncset.s32 @!p0 $0xFFFFF086;
	s6 =	sadd.s32 @!p0 s3, s7;
	s7 =	simm.s32 @!p0 $0x108  }
0x21: {  	s3 =	sadd.s32 s3, s9;
	s6 =	sadd.s32 @!p0 $0x88, s6;
	s7 =	simm.s32 @p2 $0x1082  }
0x22: {  	[simem:s7], [sflag:s8] =	dma.local @!p0 [hbm:s6], $0xF7A  }
0x23: {  	s9 =	sor.u32 $0xD0000000, s2;
	s6 =	simm.s32 $0x108;
	_ =	swait.ge @!p0 [sflag:s8], $0x0  }
0x24: {  	s3 =	sadd.s32 $0x88, s3;
	s6 =	simm.s32 @!p1 $0x1082;
	[sflag:s4] =	ssyncset.s32 $0xFFFFF086  }
0x25: {  	[simem:s6], [sflag:s4] =	dma.local [hbm:s3], $0xF7A  }
0x26: {  	[smem:$0x3F92] =	sst s1;
	(tag) =	ssettag s2;
	_ =	strace s9  }
0x27: {  	s1 =	sld [smem:$0x3FA2]  }
0x28: {  	s2 =	sld [smem:$0x3FA3]  }
0x29: {  	s4 =	sld [smem:$0x3FA5]  }
0x2a: {  	p0 =	seq.s32 s5, $0x0;
	s5 =	sld [smem:$0x3FA6]  }
0x2b: {  	s6 =	sld [smem:$0x3FA7]  }
0x2c: {  	s7 =	sld [smem:$0x3FA8]  }
0x2d: {  	s3 =	simm.s32 $0x108;
	s8 =	sld [smem:$0x3FA9]  }
0x2e: {  	s3 =	simm.s32 @!p0 $0x1082;
	s9 =	sld [smem:$0x3FAA]  }
0x2f: {  	lr =	sadd.s32 s0, s3;
	s0 =	sld [smem:$0x3FA1]  }
0x30: {  	s3 =	sld [smem:$0x3FA4]  }
0x31: {  	[smem:$0x3FAD] =	sst s10  }
0x32: {  	s10 =	sld [smem:$0x3FAB];
	_ =	sdelay $0x3  }
0x33: {  	p0 =	seq.s32 s10, $0x1;
	s10 =	sld [smem:$0x3FAD];
	_ =	sdelay $0x3  }
0x34: {  	[smem:$0x3FAD] =	sst s10  }
0x35: {  	s10 =	sld [smem:$0x3FAC];
	_ =	sdelay $0x3  }
0x36: {  	p1 =	seq.s32 s10, $0x1;
	s10 =	sld [smem:$0x3FAD];
	_ =	sdelay $0x3  }
0x37: {  	[smem:$0x3FAD] =	sst s10  }
0x38: {  	s10 =	sld [smem:$0x3FAE]  }
0x39: {  	_ = 	snop;
	(pc) =	sbr.ind lr, $3  }
0x3a: {  	_ = 	snop  }
0x3b: {  	_ = 	snop  }
0x3c: {  	p2 =	seq.s32 s10, $0x1;
	s10 =	sld [smem:$0x3FAD]  }
0x3d: {  	_ =	shalt  }
0x3e: {  	_ =	shalt  }
0x3f: {  	_ =	shalt  }
0x40: {  	_ =	shalt  }
0x41: {  	_ =	shalt  }
0x42: {  	_ =	shalt  }
0x43: {  	_ =	shalt  }
0x44: {  	_ =	shalt  }
0x45: {  	_ =	shalt  }
0x46: {  	_ =	shalt  }
0x47: {  	_ =	shalt  }
0x48: {  	_ =	shalt  }
0x49: {  	_ =	shalt  }
0x4a: {  	_ =	shalt  }
0x4b: {  	_ =	shalt  }
0x4c: {  	_ =	shalt  }
0x4d: {  	_ =	shalt  }
0x4e: {  	_ =	shalt  }
0x4f: {  	_ =	shalt  }
0x50: {  	_ =	shalt  }
0x51: {  	_ =	shalt  }
0x52: {  	_ =	shalt  }
0x53: {  	_ =	shalt  }
0x54: {  	_ =	shalt  }
0x55: {  	_ =	shalt  }
0x56: {  	_ =	shalt  }
0x57: {  	_ =	shalt  }
0x58: {  	_ =	shalt  }
0x59: {  	_ =	shalt  }
0x5a: {  	_ =	shalt  }
0x5b: {  	_ =	shalt  }
0x5c: {  	_ =	shalt  }
0x5d: {  	_ =	shalt  }
0x5e: {  	_ =	shalt  }
0x5f: {  	_ =	shalt  }
0x60: {  	_ =	shalt  }
0x61: {  	_ =	shalt  }
0x62: {  	_ =	shalt  }
0x63: {  	_ =	shalt  }
0x64: {  	_ =	shalt  }
0x65: {  	_ =	shalt  }
0x66: {  	_ =	shalt  }
0x67: {  	_ =	shalt  }
0x68: {  	_ =	shalt  }
0x69: {  	_ =	shalt  }
0x6a: {  	_ =	shalt  }
0x6b: {  	_ =	shalt  }
0x6c: {  	_ =	shalt  }
0x6d: {  	_ =	shalt  }
0x6e: {  	_ =	shalt  }
0x6f: {  	_ =	shalt  }
0x70: {  	_ =	shalt  }
0x71: {  	_ =	shalt  }
0x72: {  	_ =	shalt  }
0x73: {  	_ =	shalt  }
0x74: {  	_ =	shalt  }
0x75: {  	_ =	shalt  }
0x76: {  	_ =	shalt  }
0x77: {  	_ =	shalt  }
0x78: {  	_ =	shalt  }
0x79: {  	_ =	shalt  }
0x7a: {  	_ =	shalt  }
0x7b: {  	_ =	shalt  }
0x7c: {  	_ =	shalt  }
0x7d: {  	_ =	shalt  }
0x7e: {  	_ =	shalt  }
0x7f: {  	_ =	shalt  }
0x80: {  	_ =	shalt  }
0x81: {  	_ =	shalt  }
0x82: {  	_ =	shalt  }
0x83: {  	_ =	shalt  }
0x84: {  	_ =	shalt  }
0x85: {  	_ =	shalt  }
0x86: {  	_ =	shalt  }
0x87: {  	_ =	shalt  }
.Lfunc_end0:
.L_simem_size_0:
called_computation_lowered:
.L_overlay_start_0:
0x88: {  	s2 =	sld [smem:$0x3FD9]  }
0x89: {  	s3 =	sld [smem:$0x3FFE];
	_ =	sdelay $0x1  }
0x8a: {  	s1 =	srdreg.scid  }
0x8b: {  	s0 =	sand.u32 $0x1, s1  }
0x8c: {  	s14 =	sshll.u32 s0, $0xA;
	s2 =	sadd.s32 s3, s2  }
0x8d: {  	s2 =	sadd.s32 s2, s14  }
0x8e: {  	[smem:$0x3FB9] =	sst s2  }
0x8f: {  	_ = 	snop  }
0x90: {  	s2 =	sld [smem:$0x3FD0];
	_ =	sdelay $0x2  }
0x91: {  	s15 =	simm.s32 $0xA;
	s4 =	simm.s32 $0x10  }
0x92: {  	[smem:s4], [sflag:s15] =	dma.local [hbm:s2], $0x1  }
0x93: {  	_ =	swait.eq [sflag:s15], $0x1  }
0x94: {  	[sflag:s15] =	ssyncset.done $0x0  }
0x95: {  	[sflag:s15] =	ssyncadd.s32 $0xFFFFFFFF  }
0x96: {  	s16 =	sld [smem:$0x10];
	(tm) =	ssettm $0x1  }
0x97: {  	s17 =	sld [smem:$0x3FFB];
	_ =	sdelay $0x3  }
0x98: {  	_ =	strace s17  }
0x99: {  	s3 =	sld [smem:$0x3FFC];
	_ =	sdelay $0x3  }
0x9a: {  	_ =	strace s3  }
0x9b: {  	s3 =	sld [smem:$0x3FFD];
	_ =	sdelay $0x3  }
0x9c: {  	_ =	strace s3  }
0x9d: {  	_ =	strace $0x8FFFFFFF  }
0x9e: {  	s18 =	sld [smem:$0x3FDB];
	_ =	sdelay $0x1  }
0x9f: {  	s19 =	simm.s32 $_scs_section_size  }
0xa0: {  	s5 =	simm.s32 $_size__tile_overlayer_lowered;
	s6 =	simm.s32 $_tile_overlayer_lowered  }
0xa1: {  	s22 =	simm.s32 $0x1BFF;
	s21 =	sshll.u32 s6, $0x1;
	s3 =	sadd.s32 s19, s18  }
0xa2: {  	s7 =	simm.s32 $0x0;
	s20 =	sshll.u32 s5, $0x1;
	s5 =	sadd.s32 s21, s3  }
0xa3: {  	[timem:s7], [sflag:s22] =	dma.local [hbm:s5], s20  }
0xa4: {  	_ =	swait.ge [sflag:s22], s20  }
0xa5: {  	s4 =	ssub.s32 $0x0, s20;
	[sflag:s22] =	ssyncset.done $0x0  }
0xa6: {  	[sflag:s22] =	ssyncadd.s32 s4;
	_ =	sdelay $0x1  }
0xa7: {  	s23 =	simm.s32 $0x1B8B  }
0xa8: {  	_ =	swait.ge [sflag:s23], $0x1  }
0xa9: {  	[sflag:s23] =	ssyncset.done $0x0  }
0xaa: {  	s25 =	simm.s32 $0x1B8E;
	s24 =	sld [smem:$0x3FFE];
	[sflag:s23] =	ssyncadd.s32 $0xFFFFFFFF  }
0xab: {  	s26 =	simm.s32 $execute0_lowered;
	[smem:$0x3FD2] =	sst s25  }
0xac: {  	s5 =	sshll.u32 s26, $0x1;
	_ =	strace $0x80000046;
	[dreg:$0x1] =	wrdreg $0xFFFFFFFF  }
0xad: {  	s28 =	simm.s32 $_size_execute0_lowered;
	s3 =	sadd.s32 s3, s5;
	[dreg:$0x0] =	wrdreg $0x0  }
0xae: {  	s5 =	sshll.u32 s28, $0x1;
	[dreg:$0x2] =	wrdreg s3  }
0xaf: {  	[dreg:$0x3] =	wrdreg s5  }
0xb0: {  	[dreg:$0x4] =	wrdreg $0xC0  }
0xb1: {  	_ =	task [dreg:s7], $0x5FFFF  }
0xb2: {  	[dreg:$0x1] =	wrdreg $0xFFFFFFFF  }
0xb3: {  	[dreg:$0x0] =	wrdreg $0x60  }
0xb4: {  	[dreg:$0x2] =	wrdreg s16  }
0xb5: {  	[dreg:$0x3] =	wrdreg s24  }
0xb6: {  	[dreg:$0x4] =	wrdreg $0x9  }
0xb7: {  	_ =	task.clear_ibuf [dreg:s7], $0x5FFFF;
	_ =	strace $0x90000046  }
0xb8: {  	s29 =	simm.s32 $0x9;
	_ =	strace $0x80000048  }
0xb9: {  	_ =	swait.ge [sflag:s29], $0x1  }
0xba: {  	[sflag:s29] =	ssyncadd.s32 $0xFFFFFFFF  }
0xbb: {  	_ =	strace $0x90000048  }
0xbc: {  	_ =	sfence  }
0xbd: {  	s30 =	sld [smem:$0x0];
	_ =	sdelay $0x2  }
0xbe: {  	s31 =	sshll.u32 s1, $0xD;
	s1 =	sshrl.u32 s1, $0x2  }
0xbf: {  	s3 =	sand.u32 $0x4000, s31;
	s1 =	sadd.s32 s1, s30  }
0xc0: {  	s0 =	sor.u32 s3, s0;
	s1 =	sshll.u32 s1, $0x11  }
0xc1: {  	s0 =	sor.u32 s1, s0  }
0xc2: {  	s0 =	sadd.s32 $0x8F2B, s0  }
0xc3: {  	[sflag:s0] =	ssyncadd.remote.s32 $0x1  }
0xc4: {  	_ =	sfence.sel $0xFFFF  }
0xc5: {  	[dreg:$0x0] =	wrdreg $0xFFFFFFFF;
	(pc) =	sbr.abs _section_cstart, $3  }
0xc6: {  	[dreg:$0x1] =	wrdreg $0xFFFFFFFF  }
0xc7: {  	_ =	task.clear_ibuf [dreg:s7], $0x2FFFF;
	_ =	strace $0x9FFFFFFF  }
0xc8: {  	(tm) =	ssettm $0x7FFFFFFF  }
0xc9: {  	_ =	shalt  }
tec
execute0_lowered:
.L_overlay_start_1:
0x0: {  	(tag) =	ssettag $0x1  }
0x1: {  	s1 =	srdreg.scid;
	s2 =	rddreg [dreg:$0x0]  }
0x2: {  	s0 =	stileid.u32;
	s7 =	rddreg [dreg:$0x1];
	s14 =	simm.s32 $0x5  }
0x3: {  	s15 =	simm.s32 $0x80;
	s16 =	simm.s32 $0x100;
	s17 =	simm.s32 $0x4100  }
0x4: {  	s18 =	simm.s32 $0x8100;
	s19 =	simm.s32 $0x8900;
	s20 =	simm.s32 $0x1  }
0x5: {  	s21 =	simm.s32 $0x2;
	s22 =	simm.s32 $0x3;
	s23 =	simm.s32 $0x4  }
0x6: {  	s1 =	sand.u32 $0x1, s1;
	s4 =	smul.u32 $0x9C, s0;
	s3 =	sshll.u32 s0, $0x1  }
0x7: {  	p0 =	slt.u32 s0, $0x2;
	s5 =	smul.u32 $0x4E, s1;
	s6 =	sor.u32 s1, s3  }
0x8: {  	s3 =	simm.s32 $0x0;
	s1 =	ssub.s32 $0x2, s1;
	s6 =	smin.u32 s6, $0x4  }
0x9: {  	[smem:$0x7FF] =	sst s3;
	s10 =	sshrl.u32 s1, $0x1;
	s4 =	sadd.s32 s5, s4  }
0xa: {  	_ =	strace $0x80000047;
	s5 =	sadd.s32 $0x41E00, s7;
	s6 =	sadd.s32 s6, s4  }
0xb: {  	s1 =	ssub.s32 s1, s10;
	s4 =	sadd.s32 $0x46E00, s7;
	s8 =	sshll.u32 s6, $0x4  }
0xc: {  	s30 =	sshll.u32 s6, $0xB;
	s31 =	sshll.u32 s6, $0x8;
	s6 =	simm.s32 $0x4F  }
0xd: {  	s9 =	sadd.s32 s8, s7;
	s13 =	sadd.s32 s30, s7;
	s11 =	sadd.s32 s31, s7  }
0xe: {  	s6 =	simm.s32 @!p0 $0x4E;
	s7 =	smax.u32 s1, $0x1;
	s8 =	sadd.s32 $0x10A400, s11  }
0xf: {  	s1 =	sadd.s32 $0x6E000, s11;
	s10 =	sadd.s32 $0x10E00, s9;
	s11 =	sadd.s32 $0x7000, s9  }
0x10: {  	s24 =	simm.s32 $0x0;
	s12 =	sadd.s32 $0x1A6800, s13;
	s13 =	sadd.s32 $0x688800, s13  }
.LBB2_1:
0x11: {  	[tilespmem:s3], [sflag:$0x5] =	stream.linear.gather [hbm4b:s10+s3], $0x80, $0x38;
	[tilespmem:$0x9100] =	vst v63  }
0x12: {  	_ =	swait.ge [sflag:s14], $0x80  }
0x13: {  	[sflag:s14] =	ssyncset.done $0x0  }
0x14: {  	[sflag:s14] =	ssyncadd.s32 $0xFFFFFF80  }
0x15: {  	[tilespmem:s15], [sflag:$0x5] =	stream.linear.gather [hbm4b:s11+s3], $0x80, $0x38;
	[tilespmem:$0x9100] =	vst v63  }
0x16: {  	_ =	swait.ge [sflag:s14], $0x80  }
0x17: {  	[sflag:s14] =	ssyncset.done $0x0  }
0x18: {  	[sflag:s14] =	ssyncadd.s32 $0xFFFFFF80  }
0x19: {  	[tilespmem:s16], [sflag:$0x1] =	stream.indirect.gather [hbm4b:s2+s15], $0x80, s3, s15, $0xb8;
	[tilespmem:$0x9100] =	vst v63  }
0x1a: {  	_ = 	snop  }
0x1b: {  	[tilespmem:s17], [sflag:$0x2] =	stream.indirect.gather [hbm4b:s4+s15], $0x80, s15, s15, $0xb8;
	[tilespmem:$0x9100] =	vst v63  }
0x1c: {  	_ = 	snop  }
0x1d: {  	[tilespmem:s18], [sflag:$0x3] =	stream.indirect.gather [hbm4b:s5+s15], $0x10, s3, s15, $0xb8;
	[tilespmem:$0x9100] =	vst v63  }
0x1e: {  	_ = 	snop  }
0x1f: {  	[tilespmem:s19], [sflag:$0x4] =	stream.indirect.gather [hbm4b:s5+s15], $0x10, s15, s15, $0xb8;
	[tilespmem:$0x9100] =	vst v63  }
0x20: {  	_ =	swait.ge [sflag:s20], $0x4000  }
0x21: {  	[sflag:s20] =	ssyncset.done $0x0  }
0x22: {  	[sflag:s20] =	ssyncadd.s32 $0xFFFFC000  }
0x23: {  	_ =	swait.ge [sflag:s21], $0x4000  }
0x24: {  	[sflag:s21] =	ssyncset.done $0x0  }
0x25: {  	[sflag:s21] =	ssyncadd.s32 $0xFFFFC000  }
0x26: {  	_ =	swait.ge [sflag:s22], $0x800  }
0x27: {  	[sflag:s22] =	ssyncset.done $0x0  }
0x28: {  	[sflag:s22] =	ssyncadd.s32 $0xFFFFF800  }
0x29: {  	_ =	swait.ge [sflag:s23], $0x800  }
0x2a: {  	[sflag:s23] =	ssyncset.done $0x0  }
0x2b: {  	[sflag:s23] =	ssyncadd.s32 $0xFFFFF800  }
0x2c: {  	[hbm4b:s12+s3] =	stream.linear.scatter [tilespmem:s16], [sflag:$0x5], $0x4000, $0x38;
	[tilespmem:$0x9100] =	vst v63  }
0x2d: {  	_ =	swait.ge [sflag:s14], $0x4000  }
0x2e: {  	[sflag:s14] =	ssyncset.done $0x0  }
0x2f: {  	[sflag:s14] =	ssyncadd.s32 $0xFFFFC000  }
0x30: {  	[hbm4b:s13+s3] =	stream.linear.scatter [tilespmem:s17], [sflag:$0x5], $0x4000, $0x38;
	[tilespmem:$0x9100] =	vst v63  }
0x31: {  	_ =	swait.ge [sflag:s14], $0x4000  }
0x32: {  	[sflag:s14] =	ssyncset.done $0x0  }
0x33: {  	[sflag:s14] =	ssyncadd.s32 $0xFFFFC000  }
0x34: {  	[hbm4b:s8+s3] =	stream.linear.scatter [tilespmem:s18], [sflag:$0x5], $0x800, $0x38;
	[tilespmem:$0x9100] =	vst v63  }
0x35: {  	p0 =	sne.s32 s6, $0x1;
	_ =	swait.ge [sflag:s14], $0x800  }
.Ltmp0:
0x36: {  	s25 =	sadd.s32 $0xFFFFFFFF, s6;
	[sflag:s14] =	ssyncset.done $0x0;
	(pc) =	sbr.rel @!p0 .LBB2_3-.Ltmp0, $4  }
0x37: {  	s26 =	sadd.s32 $0x800, s12;
	s28 =	sadd.s32 $0x800, s13;
	[sflag:s14] =	ssyncadd.s32 $0xFFFFF800  }
0x38: {  	[hbm4b:s1+s3] =	stream.linear.scatter [tilespmem:s19], [sflag:$0x5], $0x800, $0x38;
	[tilespmem:$0x9100] =	vst v63  }
0x39: {  	s29 =	sadd.s32 $0x10, s10;
	s30 =	sadd.s32 $0x10, s11;
	_ =	swait.ge [sflag:s14], $0x800  }
0x3a: {  	s31 =	smov.u32 s8;
	s9 =	smov.u32 s1;
	[sflag:s14] =	ssyncset.done $0x0  }
.LBB2_2:
0x3b: {  	[sflag:s14] =	ssyncadd.s32 $0xFFFFF800;
	s31 =	sadd.s32 $0x100, s31;
	s9 =	sadd.s32 $0x100, s9  }
0x3c: {  	[tilespmem:s3], [sflag:$0x5] =	stream.linear.gather [hbm4b:s29+s3], $0x80, $0x38;
	[tilespmem:$0x9100] =	vst v63  }
0x3d: {  	p0 =	sne.s32 s25, $0x1;
	s25 =	sadd.s32 $0xFFFFFFFF, s25;
	_ =	swait.ge [sflag:s14], $0x80  }
0x3e: {  	[sflag:s14] =	ssyncset.done $0x0  }
0x3f: {  	[sflag:s14] =	ssyncadd.s32 $0xFFFFFF80  }
0x40: {  	[tilespmem:s15], [sflag:$0x5] =	stream.linear.gather [hbm4b:s30+s3], $0x80, $0x38;
	[tilespmem:$0x9100] =	vst v63  }
0x41: {  	_ =	swait.ge [sflag:s14], $0x80  }
0x42: {  	[sflag:s14] =	ssyncset.done $0x0  }
0x43: {  	[sflag:s14] =	ssyncadd.s32 $0xFFFFFF80  }
0x44: {  	[tilespmem:s16], [sflag:$0x1] =	stream.indirect.gather [hbm4b:s2+s15], $0x80, s3, s15, $0xb8;
	[tilespmem:$0x9100] =	vst v63  }
0x45: {  	_ = 	snop  }
0x46: {  	[tilespmem:s17], [sflag:$0x2] =	stream.indirect.gather [hbm4b:s4+s15], $0x80, s15, s15, $0xb8;
	[tilespmem:$0x9100] =	vst v63  }
0x47: {  	_ = 	snop  }
0x48: {  	[tilespmem:s18], [sflag:$0x3] =	stream.indirect.gather [hbm4b:s5+s15], $0x10, s3, s15, $0xb8;
	[tilespmem:$0x9100] =	vst v63  }
0x49: {  	_ = 	snop  }
0x4a: {  	[tilespmem:s19], [sflag:$0x4] =	stream.indirect.gather [hbm4b:s5+s15], $0x10, s15, s15, $0xb8;
	[tilespmem:$0x9100] =	vst v63  }
0x4b: {  	_ =	swait.ge [sflag:s20], $0x4000  }
0x4c: {  	[sflag:s20] =	ssyncset.done $0x0  }
0x4d: {  	[sflag:s20] =	ssyncadd.s32 $0xFFFFC000  }
0x4e: {  	_ =	swait.ge [sflag:s21], $0x4000  }
0x4f: {  	[sflag:s21] =	ssyncset.done $0x0  }
0x50: {  	[sflag:s21] =	ssyncadd.s32 $0xFFFFC000  }
0x51: {  	_ =	swait.ge [sflag:s22], $0x800  }
0x52: {  	[sflag:s22] =	ssyncset.done $0x0  }
0x53: {  	[sflag:s22] =	ssyncadd.s32 $0xFFFFF800  }
0x54: {  	_ =	swait.ge [sflag:s23], $0x800  }
0x55: {  	[sflag:s23] =	ssyncset.done $0x0  }
0x56: {  	[sflag:s23] =	ssyncadd.s32 $0xFFFFF800  }
0x57: {  	[hbm4b:s26+s3] =	stream.linear.scatter [tilespmem:s16], [sflag:$0x5], $0x4000, $0x38;
	[tilespmem:$0x9100] =	vst v63  }
0x58: {  	_ =	swait.ge [sflag:s14], $0x4000  }
0x59: {  	[sflag:s14] =	ssyncset.done $0x0  }
0x5a: {  	[sflag:s14] =	ssyncadd.s32 $0xFFFFC000  }
0x5b: {  	[hbm4b:s28+s3] =	stream.linear.scatter [tilespmem:s17], [sflag:$0x5], $0x4000, $0x38;
	[tilespmem:$0x9100] =	vst v63  }
0x5c: {  	_ =	swait.ge [sflag:s14], $0x4000  }
0x5d: {  	[sflag:s14] =	ssyncset.done $0x0  }
0x5e: {  	[sflag:s14] =	ssyncadd.s32 $0xFFFFC000  }
0x5f: {  	[hbm4b:s31+s3] =	stream.linear.scatter [tilespmem:s18], [sflag:$0x5], $0x800, $0x38;
	[tilespmem:$0x9100] =	vst v63  }
0x60: {  	_ =	swait.ge [sflag:s14], $0x800  }
.Ltmp1:
0x61: {  	[sflag:s14] =	ssyncset.done $0x0;
	(pc) =	sbr.rel @p0 .LBB2_2-.Ltmp1, $4  }
0x62: {  	[sflag:s14] =	ssyncadd.s32 $0xFFFFF800  }
0x63: {  	[hbm4b:s9+s3] =	stream.linear.scatter [tilespmem:s19], [sflag:$0x5], $0x800, $0x38;
	[tilespmem:$0x9100] =	vst v63  }
0x64: {  	s26 =	sadd.s32 $0x800, s26;
	s28 =	sadd.s32 $0x800, s28;
	_ =	swait.ge [sflag:s14], $0x800  }
0x65: {  	s29 =	sadd.s32 $0x10, s29;
	s30 =	sadd.s32 $0x10, s30;
	[sflag:s14] =	ssyncset.done $0x0  }
.LBB2_3:
0x66: {  	s24 =	sadd.s32 $0x1, s24  }
0x67: {  	p0 =	sne.s32 s24, s7  }
.Ltmp2:
0x68: {  	_ = 	snop;
	(pc) =	sbr.rel @p0 .LBB2_1-.Ltmp2, $2  }
0x69: {  	_ =	sdelay $0x2  }
0x6a: {  	[sflag:s14] =	ssyncadd.s32 $0xFFFFF800  }
0x6b: {  	_ =	sfence.sel $0x180000  }
0x6c: {  	[bflag:$0x0] =	sbarrier.arrive $0xFFFF  }
0x6d: {  	_ =	strace $0x90000047  }
0x6e: {  	[bflag:$0x2] =	sbarrier.arrive $0xFFFF  }
0x6f: {  	p0 =	sne.s32 s0, $0x0;
	s0 =	rddreg [dreg:$0x2]  }
0x70: {  	s0 =	sadd.s32 @!p0 $0x100000, s0  }
0x71: {  	[sflag:s0] =	ssyncadd.tile.s32 @!p0 $0x1;
	_ =	shalt  }
.Lfunc_end2:
_tile_overlayer_lowered:
.L_overlay_start_2:
0x72: {  	(tag) =	ssettag $0x2  }
0x73: {  	s0 =	rddreg [dreg:$0x0];
	s2 =	stileid.u32  }
0x74: {  	s1 =	rddreg [dreg:$0x1];
	p0 =	sne.s32 s2, $0x0  }
0x75: {  	s3 =	rddreg [dreg:$0x2];
	[bflag:$0x3] =	sbarrier.arrive $0xFFFF;
	s2 =	simm.s32 @!p0 $0x1C05  }
0x76: {  	[timem:s3], [sflag:s2] =	dma.local @!p0 [hbm:s0], s1  }
0x77: {  	s0 =	simm.s32 @!p0 $0x5  }
0x78: {  	_ =	swait.ge @!p0 [sflag:s0], s1  }
0x79: {  	s1 =	ssub.s32 @!p0 $0x0, s1;
	[sflag:s0] =	ssyncset.done @!p0 $0x0  }
0x7a: {  	[sflag:s0] =	ssyncadd.s32 @!p0 s1  }
0x7b: {  	[bflag:$0x3] =	sbarrier.arrive $0xFFFF  }
0x7c: {  	_ =	shalt  }

</sc_bundles>
